<compile_context>
chip_gen: v7x
topology: tpu7x:2x2x1
jax: 0.10.2.dev20260603
libtpu: 0.0.44.dev20260713+nightly
codegen_flags: <defaults>
</compile_context>

<pallas_src>
import functools

import jax
import jax.numpy as jnp
from jax import lax
from jax.experimental import pallas as pl
from jax.experimental.pallas import tpu as pltpu
from jax.experimental.pallas import tpu_sc as plsc

N_NODES = 10000
N_FEATURES = 128
N_TEMPLATES = 16
N_TNODES = 16
N_CLASSES = 8

NC = 2
NS = 16
NW = NC * NS
CHUNK = 128
NP = 10112
ROWS_PER_TILE = NP // NS


def _dense_body(x_ref, tf_ref, lt_ref, w_ref, b_ref, pext_ref, base_ref):
    T, n, F = N_TEMPLATES, N_TNODES, N_FEATURES
    tf2 = tf_ref[...].reshape(T * n, F)
    w = w_ref[...]
    wex = jnp.broadcast_to(w[:, None, :], (T, n, N_CLASSES)).reshape(
        T * n, N_CLASSES) * (1.0 / n)
    fbw = lax.dot_general(tf2, wex, (((0,), (0,)), ((), ())))
    f2 = jnp.sum(tf2 * tf2, axis=1, keepdims=True)
    f2w = lax.dot_general(f2, wex, (((0,), (0,)), ((), ())))
    sw = jnp.sum(w, axis=0, keepdims=True)
    struct = jnp.mean(lt_ref[...].reshape(T, n * n), axis=1, keepdims=True)
    c0 = jnp.sum(struct * w, axis=0, keepdims=True) + b_ref[...]

    x = x_ref[...]
    x2 = jnp.sum(x * x, axis=1, keepdims=True)
    p = x2 * sw + f2w - 2.0 * jnp.dot(x, fbw)
    half_p = 0.5 * p
    base_ref[...] = half_p + c0
    rows = jnp.concatenate(
        [half_p,
         jnp.ones((N_NODES, 1), jnp.float32),
         jnp.zeros((N_NODES, 16 - N_CLASSES - 1), jnp.float32)], axis=1)
    pext_ref[...] = jnp.concatenate(
        [rows, jnp.zeros((NP - N_NODES, 16), jnp.float32)], axis=0)


def _dense_part(x, tf, lt, w, b2):
    return pl.pallas_call(
        _dense_body,
        out_shape=(
            jax.ShapeDtypeStruct((NP, 16), jnp.float32),
            jax.ShapeDtypeStruct((N_NODES, N_CLASSES), jnp.float32),
        ),
    )(x, tf, lt, w, b2)


def _make_sc_kernel(k_chunks):
    mesh = plsc.VectorSubcoreMesh(core_axis_name="c", subcore_axis_name="s")

    @functools.partial(
        pl.kernel,
        out_type=jax.ShapeDtypeStruct((NC, NP, 16), jnp.float32),
        mesh=mesh,
        scratch_types=[
            pltpu.VMEM((k_chunks, CHUNK), jnp.int32),
            pltpu.VMEM((k_chunks, CHUNK), jnp.int32),
            pltpu.VMEM((8, CHUNK, 16), jnp.float32),
            pltpu.VMEM((ROWS_PER_TILE, 16), jnp.float32),
            pltpu.VMEM_SHARED((NP, 16), jnp.float32),
            pltpu.VMEM_SHARED((NP, 16), jnp.float32),
        ] + [pltpu.SemaphoreType.DMA] * 16,
        compiler_params=pltpu.CompilerParams(use_tc_tiling_on_sc=False),
    )
    def scatter_kernel(src_hbm, dst_hbm, pext_hbm, out_hbm,
                       idx_s, idx_d, bufring, stage, acc, ptab, *sems):
        c = lax.axis_index("c")
        s = lax.axis_index("s")
        wid = s * NC + c
        row0 = s * ROWS_PER_TILE

        pltpu.sync_copy(src_hbm.at[wid], idx_s)
        pltpu.sync_copy(dst_hbm.at[wid], idx_d)
        pltpu.sync_copy(pext_hbm.at[pl.ds(row0, ROWS_PER_TILE)],
                        ptab.at[pl.ds(row0, ROWS_PER_TILE)])

        def _zero_row(i, carry):
            stage[i, :] = jnp.zeros((16,), jnp.float32)
            return carry
        lax.fori_loop(0, ROWS_PER_TILE, _zero_row, None)
        pltpu.sync_copy(stage, acc.at[pl.ds(row0, ROWS_PER_TILE)])
        plsc.subcore_barrier()

        nbuf = 8
        gsems = sems[:nbuf]
        ssems = sems[nbuf:]

        def _gstart(j, slot):
            pltpu.async_copy(ptab.at[idx_s.at[j]], bufring.at[slot],
                             gsems[slot])

        def _gwait(j, slot):
            pltpu.make_async_copy(ptab.at[idx_s.at[j]], bufring.at[slot],
                                  gsems[slot]).wait()

        def _sstart(j, slot):
            pltpu.async_copy(bufring.at[slot], acc.at[idx_d.at[j]],
                             ssems[slot], add=True)

        def _swait(j, slot):
            pltpu.make_async_copy(bufring.at[slot], acc.at[idx_d.at[j]],
                                  ssems[slot]).wait()

        _gstart(0, 0)
        _gstart(1, 1)

        def _pipe(i, carry):
            j0 = nbuf * i
            for t in range(nbuf):
                j = j0 + t
                nslot = (t + 2) % nbuf

                @pl.when(j >= 6)
                def _():
                    _swait(j - 6, nslot)

                @pl.when(j + 2 < k_chunks)
                def _():
                    _gstart(j + 2, nslot)
                _gwait(j, t)
                _sstart(j, t)
            return carry
        lax.fori_loop(0, k_chunks // nbuf, _pipe, None)
        for t in range(6):
            j = k_chunks - 6 + t
            _swait(j, j % nbuf)
        plsc.subcore_barrier()

        pltpu.sync_copy(acc.at[pl.ds(row0, ROWS_PER_TILE)],
                        out_hbm.at[c, pl.ds(row0, ROWS_PER_TILE)])

    return scatter_kernel


def _combine_body(base_ref, ap_ref, out_ref):
    a = ap_ref[0] + ap_ref[1]
    ssum = a[:N_NODES, :N_CLASSES]
    deg = a[:N_NODES, N_CLASSES:N_CLASSES + 1]
    out_ref[...] = base_ref[...] + ssum / jnp.maximum(deg, 1.0)


def _combine(base, apart):
    return pl.pallas_call(
        _combine_body,
        out_shape=jax.ShapeDtypeStruct((N_NODES, N_CLASSES), jnp.float32),
    )(base, apart)


def kernel(x, edge_index, latent_template, templates_features, W, b):
    e = edge_index.shape[1]
    k_chunks = -(-e // (NW * CHUNK))
    k_chunks = -(-k_chunks // 8) * 8
    per_w = k_chunks * CHUNK
    e_pad = per_w * NW

    pad = jnp.full((e_pad - e,), N_NODES, jnp.int32)
    src = jnp.concatenate([edge_index[0], pad]).reshape(NW, k_chunks, CHUNK)
    dst = jnp.concatenate([edge_index[1], pad]).reshape(NW, k_chunks, CHUNK)

    pext, base = _dense_part(x, templates_features, latent_template,
                             W, b.reshape(1, N_CLASSES))
    apart = _make_sc_kernel(k_chunks)(src, dst, pext)
    return _combine(base, apart)

# --- scband reference (transcript-rebuilt; emitter-appended) ---
"""Pipeline reference for scband-ot-gnn-layer-8675833938655 (READ-ONLY COPY).

The authoritative reference and input builder live on the scoring server;
editing this copy changes nothing except your own understanding.
"""

import jax, jax.numpy as jnp
import numpy as np

N_NODES = 10000
N_EDGES = 320000
N_FEATURES = 128
N_TEMPLATES = 16
N_TNODES = 16
N_CLASSES = 8


def setup_inputs(seed: int = 0) -> dict:
    key = jax.random.key(seed)
    k1, k2, k3, k4, k5 = jax.random.split(key, 5)
    x = jax.random.normal(k1, (N_NODES, N_FEATURES), dtype=jnp.float32)
    edge_index = jax.random.randint(k2, (2, N_EDGES), 0, N_NODES, dtype=jnp.int32)
    # learned parameters (match nn.init.uniform_ on templates, default Linear init approximated)
    latent_template = jax.random.uniform(k3, (N_TEMPLATES, N_TNODES, N_TNODES), dtype=jnp.float32)
    templates_features = jax.random.uniform(k4, (N_TEMPLATES, N_TNODES, N_FEATURES), dtype=jnp.float32)
    kw, kb = jax.random.split(k5)
    bound = 1.0 / np.sqrt(N_TEMPLATES)
    W = jax.random.uniform(kw, (N_TEMPLATES, N_CLASSES), dtype=jnp.float32, minval=-bound, maxval=bound)
    b = jax.random.uniform(kb, (N_CLASSES,), dtype=jnp.float32, minval=-bound, maxval=bound)
    return {"x": x, "edge_index": edge_index, "latent_template": latent_template,
            "templates_features": templates_features, "W": W, "b": b}


def _distance_to_template(x, edge_index, templates_features, template):
    # Faithful OT-template distance: per-node FGW-style distance to each template
    # with uniform transport plan over template nodes, using 1-hop neighborhood
    # aggregation (scatter-add / segment mean) for the local subgraph term.
    N = x.shape[0]
    T, n, F = templates_features.shape
    Ff = templates_features.reshape(T * n, F)
    x2 = jnp.sum(x * x, axis=-1, keepdims=True)              # [N, 1]
    f2 = jnp.sum(Ff * Ff, axis=-1)[None, :]                  # [1, T*n]
    M = x2 + f2 - 2.0 * (x @ Ff.T)                            # [N, T*n] pairwise sq-dist
    src = edge_index[0]
    dst = edge_index[1]
    msg = jnp.take(M, src, axis=0)                            # gather over edges [E, T*n]
    agg = jax.ops.segment_sum(msg, dst, num_segments=N)       # scatter-add
    deg = jax.ops.segment_sum(jnp.ones_like(dst, dtype=M.dtype), dst, num_segments=N)
    agg = agg / jnp.clip(deg, 1.0)[:, None]                   # neighborhood mean cost
    Mr = M.reshape(N, T, n)
    aggr = agg.reshape(N, T, n)
    feat_term = 0.5 * (jnp.mean(Mr, axis=-1) + jnp.mean(aggr, axis=-1))  # uniform plan
    struct_term = jnp.mean(template, axis=(1, 2))             # [T] template structure cost
    return feat_term + struct_term[None, :]                   # [N, T]


def reference(x, edge_index, latent_template, templates_features, W, b):
    # LTFWG forward
    template = 0.5 * (latent_template + jnp.transpose(latent_template, (0, 2, 1)))
    dist = _distance_to_template(x, edge_index, templates_features, template)
    # Linear(N_templates -> n_classes)
    out = dist @ W + b
    return out

if __name__ == "__main__":
    import jax
    _d = setup_inputs()
    print(jax.jit(kernel)(*tuple(_d.values())))

</pallas_src>

<mosaic_0001>
#map = affine_map<(d0, d1) -> (0, 0, 0)>
#map1 = affine_map<(d0, d1) -> (0, 0)>
module attributes {stable_mosaic.version = 14 : i64} {
  func.func @scatter_kernel(%arg0: i32, %arg1: i32, %arg2: memref<32x80x128xi32, #tpu.memory_space<hbm>>, %arg3: memref<32x80x128xi32, #tpu.memory_space<hbm>>, %arg4: memref<10112x16xf32, #tpu.memory_space<hbm>>, %arg5: memref<2x10112x16xf32, #tpu.memory_space<hbm>>, %arg6: memref<80x128xi32, #tpu.memory_space<vmem>>, %arg7: memref<80x128xi32, #tpu.memory_space<vmem>>, %arg8: memref<8x128x16xf32, #tpu.memory_space<vmem>>, %arg9: memref<632x16xf32, #tpu.memory_space<vmem>>, %arg10: memref<10112x16xf32, #tpu.memory_space<vmem_shared>>, %arg11: memref<10112x16xf32, #tpu.memory_space<vmem_shared>>, %arg12: memref<!tpu.dma_semaphore, #tpu.memory_space<semaphore_mem>>, %arg13: memref<!tpu.dma_semaphore, #tpu.memory_space<semaphore_mem>>, %arg14: memref<!tpu.dma_semaphore, #tpu.memory_space<semaphore_mem>>, %arg15: memref<!tpu.dma_semaphore, #tpu.memory_space<semaphore_mem>>, %arg16: memref<!tpu.dma_semaphore, #tpu.memory_space<semaphore_mem>>, %arg17: memref<!tpu.dma_semaphore, #tpu.memory_space<semaphore_mem>>, %arg18: memref<!tpu.dma_semaphore, #tpu.memory_space<semaphore_mem>>, %arg19: memref<!tpu.dma_semaphore, #tpu.memory_space<semaphore_mem>>, %arg20: memref<!tpu.dma_semaphore, #tpu.memory_space<semaphore_mem>>, %arg21: memref<!tpu.dma_semaphore, #tpu.memory_space<semaphore_mem>>, %arg22: memref<!tpu.dma_semaphore, #tpu.memory_space<semaphore_mem>>, %arg23: memref<!tpu.dma_semaphore, #tpu.memory_space<semaphore_mem>>, %arg24: memref<!tpu.dma_semaphore, #tpu.memory_space<semaphore_mem>>, %arg25: memref<!tpu.dma_semaphore, #tpu.memory_space<semaphore_mem>>, %arg26: memref<!tpu.dma_semaphore, #tpu.memory_space<semaphore_mem>>, %arg27: memref<!tpu.dma_semaphore, #tpu.memory_space<semaphore_mem>>) attributes {dimension_semantics = [#tpu.dimension_semantics<core_parallel>, #tpu.dimension_semantics<subcore_parallel>], iteration_bounds = array<i64: 2, 16>, scalar_prefetch = 0 : i64, scratch_operands = 22 : i64, tpu.core_type = #tpu.core_type<sc_vector_subcore>, window_params = [{transform_indices = #map}, {transform_indices = #map}, {transform_indices = #map1}, {transform_indices = #map}]} {
    %mul3A = arith.constant 2 : i32
    %mul3A_0 = arith.muli %arg1, %mul3A : i32
    %add3A = arith.addi %mul3A_0, %arg0 : i32
    %mul3A_1 = arith.constant 632 : i32
    %mul3A_2 = arith.muli %arg1, %mul3A_1 : i32
    "tpu.region"() ({
      %run_scoped3A = tpu.sem_alloc : memref<!tpu.dma_semaphore, #tpu.memory_space<semaphore_mem>>
      %dma_start3A_107 = arith.constant 0 : i32
      %dma_start3A_108 = arith.constant 0 : i32
      %dma_start3A_109 = tpu.memref_slice %arg2[%add3A, %dma_start3A_107, %dma_start3A_108] : memref<32x80x128xi32, #tpu.memory_space<hbm>> -> memref<1x80x128xi32, #tpu.memory_space<hbm>>
      %dma_start3A_110 = tpu.memref_squeeze %dma_start3A_109 : memref<1x80x128xi32, #tpu.memory_space<hbm>> -> memref<80x128xi32, #tpu.memory_space<hbm>>
      %dma_start3A_111 = arith.constant 0 : i32
      %dma_start3A_112 = arith.constant 0 : i32
      %dma_start3A_113 = tpu.memref_slice %arg2[%add3A, %dma_start3A_111, %dma_start3A_112] : memref<32x80x128xi32, #tpu.memory_space<hbm>> -> memref<1x80x128xi32, #tpu.memory_space<hbm>>
      %dma_start3A_114 = tpu.memref_squeeze %dma_start3A_113 : memref<1x80x128xi32, #tpu.memory_space<hbm>> -> memref<80x128xi32, #tpu.memory_space<hbm>>
      tpu.enqueue_dma source(%dma_start3A_114 : memref<80x128xi32, #tpu.memory_space<hbm>>) target(%arg6 : memref<80x128xi32, #tpu.memory_space<vmem>>) target_semaphore(%run_scoped3A : memref<!tpu.dma_semaphore, #tpu.memory_space<semaphore_mem>>)
      %dma_wait3A_115 = arith.constant 0 : i32
      %dma_wait3A_116 = arith.constant 0 : i32
      %dma_wait3A_117 = tpu.memref_slice %arg2[%add3A, %dma_wait3A_115, %dma_wait3A_116] : memref<32x80x128xi32, #tpu.memory_space<hbm>> -> memref<1x80x128xi32, #tpu.memory_space<hbm>>
      %dma_wait3A_118 = tpu.memref_squeeze %dma_wait3A_117 : memref<1x80x128xi32, #tpu.memory_space<hbm>> -> memref<80x128xi32, #tpu.memory_space<hbm>>
      %dma_wait3A_119 = arith.constant 0 : i32
      %dma_wait3A_120 = arith.constant 0 : i32
      %dma_wait3A_121 = tpu.memref_slice %arg2[%add3A, %dma_wait3A_119, %dma_wait3A_120] : memref<32x80x128xi32, #tpu.memory_space<hbm>> -> memref<1x80x128xi32, #tpu.memory_space<hbm>>
      %dma_wait3A_122 = tpu.memref_squeeze %dma_wait3A_121 : memref<1x80x128xi32, #tpu.memory_space<hbm>> -> memref<80x128xi32, #tpu.memory_space<hbm>>
      tpu.wait_dma2 semaphore(%run_scoped3A : memref<!tpu.dma_semaphore, #tpu.memory_space<semaphore_mem>>) src(%dma_wait3A_122 : memref<80x128xi32, #tpu.memory_space<hbm>>) dst(%arg6 : memref<80x128xi32, #tpu.memory_space<vmem>>)
      tpu.yield
    }) : () -> ()
    "tpu.region"() ({
      %run_scoped3A = tpu.sem_alloc : memref<!tpu.dma_semaphore, #tpu.memory_space<semaphore_mem>>
      %dma_start3A_107 = arith.constant 0 : i32
      %dma_start3A_108 = arith.constant 0 : i32
      %dma_start3A_109 = tpu.memref_slice %arg3[%add3A, %dma_start3A_107, %dma_start3A_108] : memref<32x80x128xi32, #tpu.memory_space<hbm>> -> memref<1x80x128xi32, #tpu.memory_space<hbm>>
      %dma_start3A_110 = tpu.memref_squeeze %dma_start3A_109 : memref<1x80x128xi32, #tpu.memory_space<hbm>> -> memref<80x128xi32, #tpu.memory_space<hbm>>
      %dma_start3A_111 = arith.constant 0 : i32
      %dma_start3A_112 = arith.constant 0 : i32
      %dma_start3A_113 = tpu.memref_slice %arg3[%add3A, %dma_start3A_111, %dma_start3A_112] : memref<32x80x128xi32, #tpu.memory_space<hbm>> -> memref<1x80x128xi32, #tpu.memory_space<hbm>>
      %dma_start3A_114 = tpu.memref_squeeze %dma_start3A_113 : memref<1x80x128xi32, #tpu.memory_space<hbm>> -> memref<80x128xi32, #tpu.memory_space<hbm>>
      tpu.enqueue_dma source(%dma_start3A_114 : memref<80x128xi32, #tpu.memory_space<hbm>>) target(%arg7 : memref<80x128xi32, #tpu.memory_space<vmem>>) target_semaphore(%run_scoped3A : memref<!tpu.dma_semaphore, #tpu.memory_space<semaphore_mem>>)
      %dma_wait3A_115 = arith.constant 0 : i32
      %dma_wait3A_116 = arith.constant 0 : i32
      %dma_wait3A_117 = tpu.memref_slice %arg3[%add3A, %dma_wait3A_115, %dma_wait3A_116] : memref<32x80x128xi32, #tpu.memory_space<hbm>> -> memref<1x80x128xi32, #tpu.memory_space<hbm>>
      %dma_wait3A_118 = tpu.memref_squeeze %dma_wait3A_117 : memref<1x80x128xi32, #tpu.memory_space<hbm>> -> memref<80x128xi32, #tpu.memory_space<hbm>>
      %dma_wait3A_119 = arith.constant 0 : i32
      %dma_wait3A_120 = arith.constant 0 : i32
      %dma_wait3A_121 = tpu.memref_slice %arg3[%add3A, %dma_wait3A_119, %dma_wait3A_120] : memref<32x80x128xi32, #tpu.memory_space<hbm>> -> memref<1x80x128xi32, #tpu.memory_space<hbm>>
      %dma_wait3A_122 = tpu.memref_squeeze %dma_wait3A_121 : memref<1x80x128xi32, #tpu.memory_space<hbm>> -> memref<80x128xi32, #tpu.memory_space<hbm>>
      tpu.wait_dma2 semaphore(%run_scoped3A : memref<!tpu.dma_semaphore, #tpu.memory_space<semaphore_mem>>) src(%dma_wait3A_122 : memref<80x128xi32, #tpu.memory_space<hbm>>) dst(%arg7 : memref<80x128xi32, #tpu.memory_space<vmem>>)
      tpu.yield
    }) : () -> ()
    "tpu.region"() ({
      %run_scoped3A = tpu.sem_alloc : memref<!tpu.dma_semaphore, #tpu.memory_space<semaphore_mem>>
      %dma_start3A_107 = arith.constant 0 : i32
      %dma_start3A_108 = tpu.memref_slice %arg11[%mul3A_2, %dma_start3A_107] : memref<10112x16xf32, #tpu.memory_space<vmem_shared>> -> memref<632x16xf32, #tpu.memory_space<vmem_shared>>
      %dma_start3A_109 = arith.constant 0 : i32
      %dma_start3A_110 = tpu.memref_slice %arg4[%mul3A_2, %dma_start3A_109] : memref<10112x16xf32, #tpu.memory_space<hbm>> -> memref<632x16xf32, #tpu.memory_space<hbm>>
      tpu.enqueue_dma source(%dma_start3A_110 : memref<632x16xf32, #tpu.memory_space<hbm>>) target(%dma_start3A_108 : memref<632x16xf32, #tpu.memory_space<vmem_shared>>) target_semaphore(%run_scoped3A : memref<!tpu.dma_semaphore, #tpu.memory_space<semaphore_mem>>)
      %dma_wait3A_111 = arith.constant 0 : i32
      %dma_wait3A_112 = tpu.memref_slice %arg11[%mul3A_2, %dma_wait3A_111] : memref<10112x16xf32, #tpu.memory_space<vmem_shared>> -> memref<632x16xf32, #tpu.memory_space<vmem_shared>>
      %dma_wait3A_113 = arith.constant 0 : i32
      %dma_wait3A_114 = tpu.memref_slice %arg4[%mul3A_2, %dma_wait3A_113] : memref<10112x16xf32, #tpu.memory_space<hbm>> -> memref<632x16xf32, #tpu.memory_space<hbm>>
      tpu.wait_dma2 semaphore(%run_scoped3A : memref<!tpu.dma_semaphore, #tpu.memory_space<semaphore_mem>>) src(%dma_wait3A_114 : memref<632x16xf32, #tpu.memory_space<hbm>>) dst(%dma_wait3A_112 : memref<632x16xf32, #tpu.memory_space<vmem_shared>>)
      tpu.yield
    }) : () -> ()
    %scan3A = arith.constant 0 : i32
    %scan3A_3 = arith.constant 632 : i32
    %scan3A_4 = arith.addi %scan3A, %scan3A_3 : i32
    %scan3A_5 = arith.constant 1 : i32
    scf.for %scan3A_107 = %scan3A to %scan3A_4 step %scan3A_5  : i32 {
      %broadcast_in_dim3A = arith.constant 0.000000e+00 : f32
      %broadcast_in_dim3A_108 = vector.broadcast %broadcast_in_dim3A : f32 to vector<16xf32>
      %swap3A = arith.index_cast %scan3A_107 : i32 to index
      %swap3A_109 = arith.constant 0 : index
      %swap3A_110 = tpu.vector_load %arg9[%swap3A, %swap3A_109] {strides = array<i32>} : memref<632x16xf32, #tpu.memory_space<vmem>>, vector<1x16xf32>,
      %swap3A_111 = vector.shape_cast %swap3A_110 : vector<1x16xf32> to vector<16xf32>
      %swap3A_112 = vector.shape_cast %broadcast_in_dim3A_108 : vector<16xf32> to vector<1x16xf32>
      tpu.vector_store %arg9[%swap3A, %swap3A_109], %swap3A_112 {strides = array<i32>} : memref<632x16xf32, #tpu.memory_space<vmem>>, vector<1x16xf32>,
    }
    %scan3A_6 = arith.constant 632 : i32
    "tpu.region"() ({
      %run_scoped3A = tpu.sem_alloc : memref<!tpu.dma_semaphore, #tpu.memory_space<semaphore_mem>>
      %dma_start3A_107 = arith.constant 0 : i32
      %dma_start3A_108 = tpu.memref_slice %arg10[%mul3A_2, %dma_start3A_107] : memref<10112x16xf32, #tpu.memory_space<vmem_shared>> -> memref<632x16xf32, #tpu.memory_space<vmem_shared>>
      %dma_start3A_109 = arith.constant 0 : i32
      %dma_start3A_110 = tpu.memref_slice %arg10[%mul3A_2, %dma_start3A_109] : memref<10112x16xf32, #tpu.memory_space<vmem_shared>> -> memref<632x16xf32, #tpu.memory_space<vmem_shared>>
      tpu.enqueue_dma source(%arg9 : memref<632x16xf32, #tpu.memory_space<vmem>>) target(%dma_start3A_110 : memref<632x16xf32, #tpu.memory_space<vmem_shared>>) target_semaphore(%run_scoped3A : memref<!tpu.dma_semaphore, #tpu.memory_space<semaphore_mem>>)
      %dma_wait3A_111 = arith.constant 0 : i32
      %dma_wait3A_112 = tpu.memref_slice %arg10[%mul3A_2, %dma_wait3A_111] : memref<10112x16xf32, #tpu.memory_space<vmem_shared>> -> memref<632x16xf32, #tpu.memory_space<vmem_shared>>
      %dma_wait3A_113 = arith.constant 0 : i32
      %dma_wait3A_114 = tpu.memref_slice %arg10[%mul3A_2, %dma_wait3A_113] : memref<10112x16xf32, #tpu.memory_space<vmem_shared>> -> memref<632x16xf32, #tpu.memory_space<vmem_shared>>
      tpu.wait_dma2 semaphore(%run_scoped3A : memref<!tpu.dma_semaphore, #tpu.memory_space<semaphore_mem>>) src(%arg9 : memref<632x16xf32, #tpu.memory_space<vmem>>) dst(%dma_wait3A_114 : memref<632x16xf32, #tpu.memory_space<vmem_shared>>)
      tpu.yield
    }) : () -> ()
    %barrier3A = arith.constant 0 : index
    tpu.barrier barrier_id(%barrier3A)
    %dma_start3A = arith.constant 0 : i32
    %dma_start3A_7 = arith.constant 0 : i32
    %dma_start3A_8 = arith.constant 0 : i32
    %dma_start3A_9 = arith.constant 0 : i32
    %dma_start3A_10 = tpu.memref_slice %arg8[%dma_start3A_7, %dma_start3A_8, %dma_start3A_9] : memref<8x128x16xf32, #tpu.memory_space<vmem>> -> memref<1x128x16xf32, #tpu.memory_space<vmem>>
    %dma_start3A_11 = tpu.memref_squeeze %dma_start3A_10 : memref<1x128x16xf32, #tpu.memory_space<vmem>> -> memref<128x16xf32, #tpu.memory_space<vmem>>
    %dma_start3A_12 = arith.constant 0 : i32
    %dma_start3A_13 = tpu.memref_slice %arg6[%dma_start3A, %dma_start3A_12] : memref<80x128xi32, #tpu.memory_space<vmem>> -> memref<1x128xi32, #tpu.memory_space<vmem>>
    %dma_start3A_14 = tpu.memref_squeeze %dma_start3A_13 : memref<1x128xi32, #tpu.memory_space<vmem>> -> memref<128xi32, #tpu.memory_space<vmem>>
    %dma_start3A_15 = arith.constant 0 : i32
    %dma_start3A_16 = arith.constant 0 : i32
    %dma_start3A_17 = tpu.memref_slice %arg11[%dma_start3A_15, %dma_start3A_16] : memref<10112x16xf32, #tpu.memory_space<vmem_shared>> -> memref<10112x16xf32, #tpu.memory_space<vmem_shared>>
    tpu.enqueue_indirect_dma source(%dma_start3A_17 : memref<10112x16xf32, #tpu.memory_space<vmem_shared>>) target(%dma_start3A_11 : memref<128x16xf32, #tpu.memory_space<vmem>>) offsets(%dma_start3A_14 : memref<128xi32, #tpu.memory_space<vmem>>) semaphore(%arg12 : memref<!tpu.dma_semaphore, #tpu.memory_space<semaphore_mem>>)
    %dma_start3A_18 = arith.constant 1 : i32
    %dma_start3A_19 = arith.constant 1 : i32
    %dma_start3A_20 = arith.constant 0 : i32
    %dma_start3A_21 = arith.constant 0 : i32
    %dma_start3A_22 = tpu.memref_slice %arg8[%dma_start3A_19, %dma_start3A_20, %dma_start3A_21] : memref<8x128x16xf32, #tpu.memory_space<vmem>> -> memref<1x128x16xf32, #tpu.memory_space<vmem>>
    %dma_start3A_23 = tpu.memref_squeeze %dma_start3A_22 : memref<1x128x16xf32, #tpu.memory_space<vmem>> -> memref<128x16xf32, #tpu.memory_space<vmem>>
    %dma_start3A_24 = arith.constant 0 : i32
    %dma_start3A_25 = tpu.memref_slice %arg6[%dma_start3A_18, %dma_start3A_24] : memref<80x128xi32, #tpu.memory_space<vmem>> -> memref<1x128xi32, #tpu.memory_space<vmem>>
    %dma_start3A_26 = tpu.memref_squeeze %dma_start3A_25 : memref<1x128xi32, #tpu.memory_space<vmem>> -> memref<128xi32, #tpu.memory_space<vmem>>
    %dma_start3A_27 = arith.constant 0 : i32
    %dma_start3A_28 = arith.constant 0 : i32
    %dma_start3A_29 = tpu.memref_slice %arg11[%dma_start3A_27, %dma_start3A_28] : memref<10112x16xf32, #tpu.memory_space<vmem_shared>> -> memref<10112x16xf32, #tpu.memory_space<vmem_shared>>
    tpu.enqueue_indirect_dma source(%dma_start3A_29 : memref<10112x16xf32, #tpu.memory_space<vmem_shared>>) target(%dma_start3A_23 : memref<128x16xf32, #tpu.memory_space<vmem>>) offsets(%dma_start3A_26 : memref<128xi32, #tpu.memory_space<vmem>>) semaphore(%arg13 : memref<!tpu.dma_semaphore, #tpu.memory_space<semaphore_mem>>)
    %scan3A_30 = arith.constant 0 : i32
    %scan3A_31 = arith.constant 10 : i32
    %scan3A_32 = arith.addi %scan3A_30, %scan3A_31 : i32
    %scan3A_33 = arith.constant 1 : i32
    scf.for %scan3A_107 = %scan3A_30 to %scan3A_32 step %scan3A_33  : i32 {
      %mul3A_108 = arith.constant 8 : i32
      %mul3A_109 = arith.muli %mul3A_108, %scan3A_107 : i32
      %add3A_110 = arith.constant 0 : i32
      %add3A_111 = arith.addi %mul3A_109, %add3A_110 : i32
      %ge3A = arith.constant 6 : i32
      %ge3A_112 = arith.cmpi sge, %add3A_111, %ge3A : i32
      %convert_element_type3A = arith.extui %ge3A_112 : i1 to i32
      %cond3A = arith.constant 0 : i32
      %cond3A_113 = arith.cmpi ne, %convert_element_type3A, %cond3A : i32
      scf.if %cond3A_113 {
        %sub3A = arith.constant 6 : i32
        %sub3A_394 = arith.subi %add3A_111, %sub3A : i32
        %dma_wait3A_395 = arith.constant 2 : i32
        %dma_wait3A_396 = arith.constant 0 : i32
        %dma_wait3A_397 = arith.constant 0 : i32
        %dma_wait3A_398 = tpu.memref_slice %arg8[%dma_wait3A_395, %dma_wait3A_396, %dma_wait3A_397] : memref<8x128x16xf32, #tpu.memory_space<vmem>> -> memref<1x128x16xf32, #tpu.memory_space<vmem>>
        %dma_wait3A_399 = tpu.memref_squeeze %dma_wait3A_398 : memref<1x128x16xf32, #tpu.memory_space<vmem>> -> memref<128x16xf32, #tpu.memory_space<vmem>>
        %dma_wait3A_400 = arith.constant 0 : i32
        %dma_wait3A_401 = tpu.memref_slice %arg7[%sub3A_394, %dma_wait3A_400] : memref<80x128xi32, #tpu.memory_space<vmem>> -> memref<1x128xi32, #tpu.memory_space<vmem>>
        %dma_wait3A_402 = tpu.memref_squeeze %dma_wait3A_401 : memref<1x128xi32, #tpu.memory_space<vmem>> -> memref<128xi32, #tpu.memory_space<vmem>>
        %dma_wait3A_403 = arith.constant 0 : i32
        %dma_wait3A_404 = arith.constant 0 : i32
        %dma_wait3A_405 = tpu.memref_slice %arg10[%dma_wait3A_403, %dma_wait3A_404] : memref<10112x16xf32, #tpu.memory_space<vmem_shared>> -> memref<10112x16xf32, #tpu.memory_space<vmem_shared>>
        tpu.wait_indirect_dma semaphore(%arg22 : memref<!tpu.dma_semaphore, #tpu.memory_space<semaphore_mem>>) src(%dma_wait3A_399 : memref<128x16xf32, #tpu.memory_space<vmem>>) dst(%dma_wait3A_405 : memref<10112x16xf32, #tpu.memory_space<vmem_shared>>)
      } else {
      }
      %add3A_114 = arith.constant 2 : i32
      %add3A_115 = arith.addi %add3A_111, %add3A_114 : i32
      %lt3A = arith.constant 80 : i32
      %lt3A_116 = arith.cmpi slt, %add3A_115, %lt3A : i32
      %convert_element_type3A_117 = arith.extui %lt3A_116 : i1 to i32
      %cond3A_118 = arith.constant 0 : i32
      %cond3A_119 = arith.cmpi ne, %convert_element_type3A_117, %cond3A_118 : i32
      scf.if %cond3A_119 {
        %add3A_394 = arith.constant 2 : i32
        %add3A_395 = arith.addi %add3A_111, %add3A_394 : i32
        %dma_start3A_396 = arith.constant 2 : i32
        %dma_start3A_397 = arith.constant 0 : i32
        %dma_start3A_398 = arith.constant 0 : i32
        %dma_start3A_399 = tpu.memref_slice %arg8[%dma_start3A_396, %dma_start3A_397, %dma_start3A_398] : memref<8x128x16xf32, #tpu.memory_space<vmem>> -> memref<1x128x16xf32, #tpu.memory_space<vmem>>
        %dma_start3A_400 = tpu.memref_squeeze %dma_start3A_399 : memref<1x128x16xf32, #tpu.memory_space<vmem>> -> memref<128x16xf32, #tpu.memory_space<vmem>>
        %dma_start3A_401 = arith.constant 0 : i32
        %dma_start3A_402 = tpu.memref_slice %arg6[%add3A_395, %dma_start3A_401] : memref<80x128xi32, #tpu.memory_space<vmem>> -> memref<1x128xi32, #tpu.memory_space<vmem>>
        %dma_start3A_403 = tpu.memref_squeeze %dma_start3A_402 : memref<1x128xi32, #tpu.memory_space<vmem>> -> memref<128xi32, #tpu.memory_space<vmem>>
        %dma_start3A_404 = arith.constant 0 : i32
        %dma_start3A_405 = arith.constant 0 : i32
        %dma_start3A_406 = tpu.memref_slice %arg11[%dma_start3A_404, %dma_start3A_405] : memref<10112x16xf32, #tpu.memory_space<vmem_shared>> -> memref<10112x16xf32, #tpu.memory_space<vmem_shared>>
        tpu.enqueue_indirect_dma source(%dma_start3A_406 : memref<10112x16xf32, #tpu.memory_space<vmem_shared>>) target(%dma_start3A_400 : memref<128x16xf32, #tpu.memory_space<vmem>>) offsets(%dma_start3A_403 : memref<128xi32, #tpu.memory_space<vmem>>) semaphore(%arg14 : memref<!tpu.dma_semaphore, #tpu.memory_space<semaphore_mem>>)
      } else {
      }
      %dma_wait3A_120 = arith.constant 0 : i32
      %dma_wait3A_121 = arith.constant 0 : i32
      %dma_wait3A_122 = arith.constant 0 : i32
      %dma_wait3A_123 = tpu.memref_slice %arg8[%dma_wait3A_120, %dma_wait3A_121, %dma_wait3A_122] : memref<8x128x16xf32, #tpu.memory_space<vmem>> -> memref<1x128x16xf32, #tpu.memory_space<vmem>>
      %dma_wait3A_124 = tpu.memref_squeeze %dma_wait3A_123 : memref<1x128x16xf32, #tpu.memory_space<vmem>> -> memref<128x16xf32, #tpu.memory_space<vmem>>
      %dma_wait3A_125 = arith.constant 0 : i32
      %dma_wait3A_126 = tpu.memref_slice %arg6[%add3A_111, %dma_wait3A_125] : memref<80x128xi32, #tpu.memory_space<vmem>> -> memref<1x128xi32, #tpu.memory_space<vmem>>
      %dma_wait3A_127 = tpu.memref_squeeze %dma_wait3A_126 : memref<1x128xi32, #tpu.memory_space<vmem>> -> memref<128xi32, #tpu.memory_space<vmem>>
      %dma_wait3A_128 = arith.constant 0 : i32
      %dma_wait3A_129 = arith.constant 0 : i32
      %dma_wait3A_130 = tpu.memref_slice %arg11[%dma_wait3A_128, %dma_wait3A_129] : memref<10112x16xf32, #tpu.memory_space<vmem_shared>> -> memref<10112x16xf32, #tpu.memory_space<vmem_shared>>
      tpu.wait_indirect_dma semaphore(%arg12 : memref<!tpu.dma_semaphore, #tpu.memory_space<semaphore_mem>>) src(%dma_wait3A_130 : memref<10112x16xf32, #tpu.memory_space<vmem_shared>>) dst(%dma_wait3A_124 : memref<128x16xf32, #tpu.memory_space<vmem>>)
      %dma_start3A_131 = arith.constant 0 : i32
      %dma_start3A_132 = arith.constant 0 : i32
      %dma_start3A_133 = arith.constant 0 : i32
      %dma_start3A_134 = tpu.memref_slice %arg8[%dma_start3A_131, %dma_start3A_132, %dma_start3A_133] : memref<8x128x16xf32, #tpu.memory_space<vmem>> -> memref<1x128x16xf32, #tpu.memory_space<vmem>>
      %dma_start3A_135 = tpu.memref_squeeze %dma_start3A_134 : memref<1x128x16xf32, #tpu.memory_space<vmem>> -> memref<128x16xf32, #tpu.memory_space<vmem>>
      %dma_start3A_136 = arith.constant 0 : i32
      %dma_start3A_137 = tpu.memref_slice %arg7[%add3A_111, %dma_start3A_136] : memref<80x128xi32, #tpu.memory_space<vmem>> -> memref<1x128xi32, #tpu.memory_space<vmem>>
      %dma_start3A_138 = tpu.memref_squeeze %dma_start3A_137 : memref<1x128xi32, #tpu.memory_space<vmem>> -> memref<128xi32, #tpu.memory_space<vmem>>
      %dma_start3A_139 = arith.constant 0 : i32
      %dma_start3A_140 = arith.constant 0 : i32
      %dma_start3A_141 = tpu.memref_slice %arg10[%dma_start3A_139, %dma_start3A_140] : memref<10112x16xf32, #tpu.memory_space<vmem_shared>> -> memref<10112x16xf32, #tpu.memory_space<vmem_shared>>
      tpu.enqueue_indirect_dma source(%dma_start3A_135 : memref<128x16xf32, #tpu.memory_space<vmem>>) target(%dma_start3A_141 : memref<10112x16xf32, #tpu.memory_space<vmem_shared>>) offsets(%dma_start3A_138 : memref<128xi32, #tpu.memory_space<vmem>>) semaphore(%arg20 : memref<!tpu.dma_semaphore, #tpu.memory_space<semaphore_mem>>) {add = true}
      %add3A_142 = arith.constant 1 : i32
      %add3A_143 = arith.addi %mul3A_109, %add3A_142 : i32
      %ge3A_144 = arith.constant 6 : i32
      %ge3A_145 = arith.cmpi sge, %add3A_143, %ge3A_144 : i32
      %convert_element_type3A_146 = arith.extui %ge3A_145 : i1 to i32
      %cond3A_147 = arith.constant 0 : i32
      %cond3A_148 = arith.cmpi ne, %convert_element_type3A_146, %cond3A_147 : i32
      scf.if %cond3A_148 {
        %sub3A = arith.constant 6 : i32
        %sub3A_394 = arith.subi %add3A_143, %sub3A : i32
        %dma_wait3A_395 = arith.constant 3 : i32
        %dma_wait3A_396 = arith.constant 0 : i32
        %dma_wait3A_397 = arith.constant 0 : i32
        %dma_wait3A_398 = tpu.memref_slice %arg8[%dma_wait3A_395, %dma_wait3A_396, %dma_wait3A_397] : memref<8x128x16xf32, #tpu.memory_space<vmem>> -> memref<1x128x16xf32, #tpu.memory_space<vmem>>
        %dma_wait3A_399 = tpu.memref_squeeze %dma_wait3A_398 : memref<1x128x16xf32, #tpu.memory_space<vmem>> -> memref<128x16xf32, #tpu.memory_space<vmem>>
        %dma_wait3A_400 = arith.constant 0 : i32
        %dma_wait3A_401 = tpu.memref_slice %arg7[%sub3A_394, %dma_wait3A_400] : memref<80x128xi32, #tpu.memory_space<vmem>> -> memref<1x128xi32, #tpu.memory_space<vmem>>
        %dma_wait3A_402 = tpu.memref_squeeze %dma_wait3A_401 : memref<1x128xi32, #tpu.memory_space<vmem>> -> memref<128xi32, #tpu.memory_space<vmem>>
        %dma_wait3A_403 = arith.constant 0 : i32
        %dma_wait3A_404 = arith.constant 0 : i32
        %dma_wait3A_405 = tpu.memref_slice %arg10[%dma_wait3A_403, %dma_wait3A_404] : memref<10112x16xf32, #tpu.memory_space<vmem_shared>> -> memref<10112x16xf32, #tpu.memory_space<vmem_shared>>
        tpu.wait_indirect_dma semaphore(%arg23 : memref<!tpu.dma_semaphore, #tpu.memory_space<semaphore_mem>>) src(%dma_wait3A_399 : memref<128x16xf32, #tpu.memory_space<vmem>>) dst(%dma_wait3A_405 : memref<10112x16xf32, #tpu.memory_space<vmem_shared>>)
      } else {
      }
      %add3A_149 = arith.constant 2 : i32
      %add3A_150 = arith.addi %add3A_143, %add3A_149 : i32
      %lt3A_151 = arith.constant 80 : i32
      %lt3A_152 = arith.cmpi slt, %add3A_150, %lt3A_151 : i32
      %convert_element_type3A_153 = arith.extui %lt3A_152 : i1 to i32
      %cond3A_154 = arith.constant 0 : i32
      %cond3A_155 = arith.cmpi ne, %convert_element_type3A_153, %cond3A_154 : i32
      scf.if %cond3A_155 {
        %add3A_394 = arith.constant 2 : i32
        %add3A_395 = arith.addi %add3A_143, %add3A_394 : i32
        %dma_start3A_396 = arith.constant 3 : i32
        %dma_start3A_397 = arith.constant 0 : i32
        %dma_start3A_398 = arith.constant 0 : i32
        %dma_start3A_399 = tpu.memref_slice %arg8[%dma_start3A_396, %dma_start3A_397, %dma_start3A_398] : memref<8x128x16xf32, #tpu.memory_space<vmem>> -> memref<1x128x16xf32, #tpu.memory_space<vmem>>
        %dma_start3A_400 = tpu.memref_squeeze %dma_start3A_399 : memref<1x128x16xf32, #tpu.memory_space<vmem>> -> memref<128x16xf32, #tpu.memory_space<vmem>>
        %dma_start3A_401 = arith.constant 0 : i32
        %dma_start3A_402 = tpu.memref_slice %arg6[%add3A_395, %dma_start3A_401] : memref<80x128xi32, #tpu.memory_space<vmem>> -> memref<1x128xi32, #tpu.memory_space<vmem>>
        %dma_start3A_403 = tpu.memref_squeeze %dma_start3A_402 : memref<1x128xi32, #tpu.memory_space<vmem>> -> memref<128xi32, #tpu.memory_space<vmem>>
        %dma_start3A_404 = arith.constant 0 : i32
        %dma_start3A_405 = arith.constant 0 : i32
        %dma_start3A_406 = tpu.memref_slice %arg11[%dma_start3A_404, %dma_start3A_405] : memref<10112x16xf32, #tpu.memory_space<vmem_shared>> -> memref<10112x16xf32, #tpu.memory_space<vmem_shared>>
        tpu.enqueue_indirect_dma source(%dma_start3A_406 : memref<10112x16xf32, #tpu.memory_space<vmem_shared>>) target(%dma_start3A_400 : memref<128x16xf32, #tpu.memory_space<vmem>>) offsets(%dma_start3A_403 : memref<128xi32, #tpu.memory_space<vmem>>) semaphore(%arg15 : memref<!tpu.dma_semaphore, #tpu.memory_space<semaphore_mem>>)
      } else {
      }
      %dma_wait3A_156 = arith.constant 1 : i32
      %dma_wait3A_157 = arith.constant 0 : i32
      %dma_wait3A_158 = arith.constant 0 : i32
      %dma_wait3A_159 = tpu.memref_slice %arg8[%dma_wait3A_156, %dma_wait3A_157, %dma_wait3A_158] : memref<8x128x16xf32, #tpu.memory_space<vmem>> -> memref<1x128x16xf32, #tpu.memory_space<vmem>>
      %dma_wait3A_160 = tpu.memref_squeeze %dma_wait3A_159 : memref<1x128x16xf32, #tpu.memory_space<vmem>> -> memref<128x16xf32, #tpu.memory_space<vmem>>
      %dma_wait3A_161 = arith.constant 0 : i32
      %dma_wait3A_162 = tpu.memref_slice %arg6[%add3A_143, %dma_wait3A_161] : memref<80x128xi32, #tpu.memory_space<vmem>> -> memref<1x128xi32, #tpu.memory_space<vmem>>
      %dma_wait3A_163 = tpu.memref_squeeze %dma_wait3A_162 : memref<1x128xi32, #tpu.memory_space<vmem>> -> memref<128xi32, #tpu.memory_space<vmem>>
      %dma_wait3A_164 = arith.constant 0 : i32
      %dma_wait3A_165 = arith.constant 0 : i32
      %dma_wait3A_166 = tpu.memref_slice %arg11[%dma_wait3A_164, %dma_wait3A_165] : memref<10112x16xf32, #tpu.memory_space<vmem_shared>> -> memref<10112x16xf32, #tpu.memory_space<vmem_shared>>
      tpu.wait_indirect_dma semaphore(%arg13 : memref<!tpu.dma_semaphore, #tpu.memory_space<semaphore_mem>>) src(%dma_wait3A_166 : memref<10112x16xf32, #tpu.memory_space<vmem_shared>>) dst(%dma_wait3A_160 : memref<128x16xf32, #tpu.memory_space<vmem>>)
      %dma_start3A_167 = arith.constant 1 : i32
      %dma_start3A_168 = arith.constant 0 : i32
      %dma_start3A_169 = arith.constant 0 : i32
      %dma_start3A_170 = tpu.memref_slice %arg8[%dma_start3A_167, %dma_start3A_168, %dma_start3A_169] : memref<8x128x16xf32, #tpu.memory_space<vmem>> -> memref<1x128x16xf32, #tpu.memory_space<vmem>>
      %dma_start3A_171 = tpu.memref_squeeze %dma_start3A_170 : memref<1x128x16xf32, #tpu.memory_space<vmem>> -> memref<128x16xf32, #tpu.memory_space<vmem>>
      %dma_start3A_172 = arith.constant 0 : i32
      %dma_start3A_173 = tpu.memref_slice %arg7[%add3A_143, %dma_start3A_172] : memref<80x128xi32, #tpu.memory_space<vmem>> -> memref<1x128xi32, #tpu.memory_space<vmem>>
      %dma_start3A_174 = tpu.memref_squeeze %dma_start3A_173 : memref<1x128xi32, #tpu.memory_space<vmem>> -> memref<128xi32, #tpu.memory_space<vmem>>
      %dma_start3A_175 = arith.constant 0 : i32
      %dma_start3A_176 = arith.constant 0 : i32
      %dma_start3A_177 = tpu.memref_slice %arg10[%dma_start3A_175, %dma_start3A_176] : memref<10112x16xf32, #tpu.memory_space<vmem_shared>> -> memref<10112x16xf32, #tpu.memory_space<vmem_shared>>
      tpu.enqueue_indirect_dma source(%dma_start3A_171 : memref<128x16xf32, #tpu.memory_space<vmem>>) target(%dma_start3A_177 : memref<10112x16xf32, #tpu.memory_space<vmem_shared>>) offsets(%dma_start3A_174 : memref<128xi32, #tpu.memory_space<vmem>>) semaphore(%arg21 : memref<!tpu.dma_semaphore, #tpu.memory_space<semaphore_mem>>) {add = true}
      %add3A_178 = arith.constant 2 : i32
      %add3A_179 = arith.addi %mul3A_109, %add3A_178 : i32
      %ge3A_180 = arith.constant 6 : i32
      %ge3A_181 = arith.cmpi sge, %add3A_179, %ge3A_180 : i32
      %convert_element_type3A_182 = arith.extui %ge3A_181 : i1 to i32
      %cond3A_183 = arith.constant 0 : i32
      %cond3A_184 = arith.cmpi ne, %convert_element_type3A_182, %cond3A_183 : i32
      scf.if %cond3A_184 {
        %sub3A = arith.constant 6 : i32
        %sub3A_394 = arith.subi %add3A_179, %sub3A : i32
        %dma_wait3A_395 = arith.constant 4 : i32
        %dma_wait3A_396 = arith.constant 0 : i32
        %dma_wait3A_397 = arith.constant 0 : i32
        %dma_wait3A_398 = tpu.memref_slice %arg8[%dma_wait3A_395, %dma_wait3A_396, %dma_wait3A_397] : memref<8x128x16xf32, #tpu.memory_space<vmem>> -> memref<1x128x16xf32, #tpu.memory_space<vmem>>
        %dma_wait3A_399 = tpu.memref_squeeze %dma_wait3A_398 : memref<1x128x16xf32, #tpu.memory_space<vmem>> -> memref<128x16xf32, #tpu.memory_space<vmem>>
        %dma_wait3A_400 = arith.constant 0 : i32
        %dma_wait3A_401 = tpu.memref_slice %arg7[%sub3A_394, %dma_wait3A_400] : memref<80x128xi32, #tpu.memory_space<vmem>> -> memref<1x128xi32, #tpu.memory_space<vmem>>
        %dma_wait3A_402 = tpu.memref_squeeze %dma_wait3A_401 : memref<1x128xi32, #tpu.memory_space<vmem>> -> memref<128xi32, #tpu.memory_space<vmem>>
        %dma_wait3A_403 = arith.constant 0 : i32
        %dma_wait3A_404 = arith.constant 0 : i32
        %dma_wait3A_405 = tpu.memref_slice %arg10[%dma_wait3A_403, %dma_wait3A_404] : memref<10112x16xf32, #tpu.memory_space<vmem_shared>> -> memref<10112x16xf32, #tpu.memory_space<vmem_shared>>
        tpu.wait_indirect_dma semaphore(%arg24 : memref<!tpu.dma_semaphore, #tpu.memory_space<semaphore_mem>>) src(%dma_wait3A_399 : memref<128x16xf32, #tpu.memory_space<vmem>>) dst(%dma_wait3A_405 : memref<10112x16xf32, #tpu.memory_space<vmem_shared>>)
      } else {
      }
      %add3A_185 = arith.constant 2 : i32
      %add3A_186 = arith.addi %add3A_179, %add3A_185 : i32
      %lt3A_187 = arith.constant 80 : i32
      %lt3A_188 = arith.cmpi slt, %add3A_186, %lt3A_187 : i32
      %convert_element_type3A_189 = arith.extui %lt3A_188 : i1 to i32
      %cond3A_190 = arith.constant 0 : i32
      %cond3A_191 = arith.cmpi ne, %convert_element_type3A_189, %cond3A_190 : i32
      scf.if %cond3A_191 {
        %add3A_394 = arith.constant 2 : i32
        %add3A_395 = arith.addi %add3A_179, %add3A_394 : i32
        %dma_start3A_396 = arith.constant 4 : i32
        %dma_start3A_397 = arith.constant 0 : i32
        %dma_start3A_398 = arith.constant 0 : i32
        %dma_start3A_399 = tpu.memref_slice %arg8[%dma_start3A_396, %dma_start3A_397, %dma_start3A_398] : memref<8x128x16xf32, #tpu.memory_space<vmem>> -> memref<1x128x16xf32, #tpu.memory_space<vmem>>
        %dma_start3A_400 = tpu.memref_squeeze %dma_start3A_399 : memref<1x128x16xf32, #tpu.memory_space<vmem>> -> memref<128x16xf32, #tpu.memory_space<vmem>>
        %dma_start3A_401 = arith.constant 0 : i32
        %dma_start3A_402 = tpu.memref_slice %arg6[%add3A_395, %dma_start3A_401] : memref<80x128xi32, #tpu.memory_space<vmem>> -> memref<1x128xi32, #tpu.memory_space<vmem>>
        %dma_start3A_403 = tpu.memref_squeeze %dma_start3A_402 : memref<1x128xi32, #tpu.memory_space<vmem>> -> memref<128xi32, #tpu.memory_space<vmem>>
        %dma_start3A_404 = arith.constant 0 : i32
        %dma_start3A_405 = arith.constant 0 : i32
        %dma_start3A_406 = tpu.memref_slice %arg11[%dma_start3A_404, %dma_start3A_405] : memref<10112x16xf32, #tpu.memory_space<vmem_shared>> -> memref<10112x16xf32, #tpu.memory_space<vmem_shared>>
        tpu.enqueue_indirect_dma source(%dma_start3A_406 : memref<10112x16xf32, #tpu.memory_space<vmem_shared>>) target(%dma_start3A_400 : memref<128x16xf32, #tpu.memory_space<vmem>>) offsets(%dma_start3A_403 : memref<128xi32, #tpu.memory_space<vmem>>) semaphore(%arg16 : memref<!tpu.dma_semaphore, #tpu.memory_space<semaphore_mem>>)
      } else {
      }
      %dma_wait3A_192 = arith.constant 2 : i32
      %dma_wait3A_193 = arith.constant 0 : i32
      %dma_wait3A_194 = arith.constant 0 : i32
      %dma_wait3A_195 = tpu.memref_slice %arg8[%dma_wait3A_192, %dma_wait3A_193, %dma_wait3A_194] : memref<8x128x16xf32, #tpu.memory_space<vmem>> -> memref<1x128x16xf32, #tpu.memory_space<vmem>>
      %dma_wait3A_196 = tpu.memref_squeeze %dma_wait3A_195 : memref<1x128x16xf32, #tpu.memory_space<vmem>> -> memref<128x16xf32, #tpu.memory_space<vmem>>
      %dma_wait3A_197 = arith.constant 0 : i32
      %dma_wait3A_198 = tpu.memref_slice %arg6[%add3A_179, %dma_wait3A_197] : memref<80x128xi32, #tpu.memory_space<vmem>> -> memref<1x128xi32, #tpu.memory_space<vmem>>
      %dma_wait3A_199 = tpu.memref_squeeze %dma_wait3A_198 : memref<1x128xi32, #tpu.memory_space<vmem>> -> memref<128xi32, #tpu.memory_space<vmem>>
      %dma_wait3A_200 = arith.constant 0 : i32
      %dma_wait3A_201 = arith.constant 0 : i32
      %dma_wait3A_202 = tpu.memref_slice %arg11[%dma_wait3A_200, %dma_wait3A_201] : memref<10112x16xf32, #tpu.memory_space<vmem_shared>> -> memref<10112x16xf32, #tpu.memory_space<vmem_shared>>
      tpu.wait_indirect_dma semaphore(%arg14 : memref<!tpu.dma_semaphore, #tpu.memory_space<semaphore_mem>>) src(%dma_wait3A_202 : memref<10112x16xf32, #tpu.memory_space<vmem_shared>>) dst(%dma_wait3A_196 : memref<128x16xf32, #tpu.memory_space<vmem>>)
      %dma_start3A_203 = arith.constant 2 : i32
      %dma_start3A_204 = arith.constant 0 : i32
      %dma_start3A_205 = arith.constant 0 : i32
      %dma_start3A_206 = tpu.memref_slice %arg8[%dma_start3A_203, %dma_start3A_204, %dma_start3A_205] : memref<8x128x16xf32, #tpu.memory_space<vmem>> -> memref<1x128x16xf32, #tpu.memory_space<vmem>>
      %dma_start3A_207 = tpu.memref_squeeze %dma_start3A_206 : memref<1x128x16xf32, #tpu.memory_space<vmem>> -> memref<128x16xf32, #tpu.memory_space<vmem>>
      %dma_start3A_208 = arith.constant 0 : i32
      %dma_start3A_209 = tpu.memref_slice %arg7[%add3A_179, %dma_start3A_208] : memref<80x128xi32, #tpu.memory_space<vmem>> -> memref<1x128xi32, #tpu.memory_space<vmem>>
      %dma_start3A_210 = tpu.memref_squeeze %dma_start3A_209 : memref<1x128xi32, #tpu.memory_space<vmem>> -> memref<128xi32, #tpu.memory_space<vmem>>
      %dma_start3A_211 = arith.constant 0 : i32
      %dma_start3A_212 = arith.constant 0 : i32
      %dma_start3A_213 = tpu.memref_slice %arg10[%dma_start3A_211, %dma_start3A_212] : memref<10112x16xf32, #tpu.memory_space<vmem_shared>> -> memref<10112x16xf32, #tpu.memory_space<vmem_shared>>
      tpu.enqueue_indirect_dma source(%dma_start3A_207 : memref<128x16xf32, #tpu.memory_space<vmem>>) target(%dma_start3A_213 : memref<10112x16xf32, #tpu.memory_space<vmem_shared>>) offsets(%dma_start3A_210 : memref<128xi32, #tpu.memory_space<vmem>>) semaphore(%arg22 : memref<!tpu.dma_semaphore, #tpu.memory_space<semaphore_mem>>) {add = true}
      %add3A_214 = arith.constant 3 : i32
      %add3A_215 = arith.addi %mul3A_109, %add3A_214 : i32
      %ge3A_216 = arith.constant 6 : i32
      %ge3A_217 = arith.cmpi sge, %add3A_215, %ge3A_216 : i32
      %convert_element_type3A_218 = arith.extui %ge3A_217 : i1 to i32
      %cond3A_219 = arith.constant 0 : i32
      %cond3A_220 = arith.cmpi ne, %convert_element_type3A_218, %cond3A_219 : i32
      scf.if %cond3A_220 {
        %sub3A = arith.constant 6 : i32
        %sub3A_394 = arith.subi %add3A_215, %sub3A : i32
        %dma_wait3A_395 = arith.constant 5 : i32
        %dma_wait3A_396 = arith.constant 0 : i32
        %dma_wait3A_397 = arith.constant 0 : i32
        %dma_wait3A_398 = tpu.memref_slice %arg8[%dma_wait3A_395, %dma_wait3A_396, %dma_wait3A_397] : memref<8x128x16xf32, #tpu.memory_space<vmem>> -> memref<1x128x16xf32, #tpu.memory_space<vmem>>
        %dma_wait3A_399 = tpu.memref_squeeze %dma_wait3A_398 : memref<1x128x16xf32, #tpu.memory_space<vmem>> -> memref<128x16xf32, #tpu.memory_space<vmem>>
        %dma_wait3A_400 = arith.constant 0 : i32
        %dma_wait3A_401 = tpu.memref_slice %arg7[%sub3A_394, %dma_wait3A_400] : memref<80x128xi32, #tpu.memory_space<vmem>> -> memref<1x128xi32, #tpu.memory_space<vmem>>
        %dma_wait3A_402 = tpu.memref_squeeze %dma_wait3A_401 : memref<1x128xi32, #tpu.memory_space<vmem>> -> memref<128xi32, #tpu.memory_space<vmem>>
        %dma_wait3A_403 = arith.constant 0 : i32
        %dma_wait3A_404 = arith.constant 0 : i32
        %dma_wait3A_405 = tpu.memref_slice %arg10[%dma_wait3A_403, %dma_wait3A_404] : memref<10112x16xf32, #tpu.memory_space<vmem_shared>> -> memref<10112x16xf32, #tpu.memory_space<vmem_shared>>
        tpu.wait_indirect_dma semaphore(%arg25 : memref<!tpu.dma_semaphore, #tpu.memory_space<semaphore_mem>>) src(%dma_wait3A_399 : memref<128x16xf32, #tpu.memory_space<vmem>>) dst(%dma_wait3A_405 : memref<10112x16xf32, #tpu.memory_space<vmem_shared>>)
      } else {
      }
      %add3A_221 = arith.constant 2 : i32
      %add3A_222 = arith.addi %add3A_215, %add3A_221 : i32
      %lt3A_223 = arith.constant 80 : i32
      %lt3A_224 = arith.cmpi slt, %add3A_222, %lt3A_223 : i32
      %convert_element_type3A_225 = arith.extui %lt3A_224 : i1 to i32
      %cond3A_226 = arith.constant 0 : i32
      %cond3A_227 = arith.cmpi ne, %convert_element_type3A_225, %cond3A_226 : i32
      scf.if %cond3A_227 {
        %add3A_394 = arith.constant 2 : i32
        %add3A_395 = arith.addi %add3A_215, %add3A_394 : i32
        %dma_start3A_396 = arith.constant 5 : i32
        %dma_start3A_397 = arith.constant 0 : i32
        %dma_start3A_398 = arith.constant 0 : i32
        %dma_start3A_399 = tpu.memref_slice %arg8[%dma_start3A_396, %dma_start3A_397, %dma_start3A_398] : memref<8x128x16xf32, #tpu.memory_space<vmem>> -> memref<1x128x16xf32, #tpu.memory_space<vmem>>
        %dma_start3A_400 = tpu.memref_squeeze %dma_start3A_399 : memref<1x128x16xf32, #tpu.memory_space<vmem>> -> memref<128x16xf32, #tpu.memory_space<vmem>>
        %dma_start3A_401 = arith.constant 0 : i32
        %dma_start3A_402 = tpu.memref_slice %arg6[%add3A_395, %dma_start3A_401] : memref<80x128xi32, #tpu.memory_space<vmem>> -> memref<1x128xi32, #tpu.memory_space<vmem>>
        %dma_start3A_403 = tpu.memref_squeeze %dma_start3A_402 : memref<1x128xi32, #tpu.memory_space<vmem>> -> memref<128xi32, #tpu.memory_space<vmem>>
        %dma_start3A_404 = arith.constant 0 : i32
        %dma_start3A_405 = arith.constant 0 : i32
        %dma_start3A_406 = tpu.memref_slice %arg11[%dma_start3A_404, %dma_start3A_405] : memref<10112x16xf32, #tpu.memory_space<vmem_shared>> -> memref<10112x16xf32, #tpu.memory_space<vmem_shared>>
        tpu.enqueue_indirect_dma source(%dma_start3A_406 : memref<10112x16xf32, #tpu.memory_space<vmem_shared>>) target(%dma_start3A_400 : memref<128x16xf32, #tpu.memory_space<vmem>>) offsets(%dma_start3A_403 : memref<128xi32, #tpu.memory_space<vmem>>) semaphore(%arg17 : memref<!tpu.dma_semaphore, #tpu.memory_space<semaphore_mem>>)
      } else {
      }
      %dma_wait3A_228 = arith.constant 3 : i32
      %dma_wait3A_229 = arith.constant 0 : i32
      %dma_wait3A_230 = arith.constant 0 : i32
      %dma_wait3A_231 = tpu.memref_slice %arg8[%dma_wait3A_228, %dma_wait3A_229, %dma_wait3A_230] : memref<8x128x16xf32, #tpu.memory_space<vmem>> -> memref<1x128x16xf32, #tpu.memory_space<vmem>>
      %dma_wait3A_232 = tpu.memref_squeeze %dma_wait3A_231 : memref<1x128x16xf32, #tpu.memory_space<vmem>> -> memref<128x16xf32, #tpu.memory_space<vmem>>
      %dma_wait3A_233 = arith.constant 0 : i32
      %dma_wait3A_234 = tpu.memref_slice %arg6[%add3A_215, %dma_wait3A_233] : memref<80x128xi32, #tpu.memory_space<vmem>> -> memref<1x128xi32, #tpu.memory_space<vmem>>
      %dma_wait3A_235 = tpu.memref_squeeze %dma_wait3A_234 : memref<1x128xi32, #tpu.memory_space<vmem>> -> memref<128xi32, #tpu.memory_space<vmem>>
      %dma_wait3A_236 = arith.constant 0 : i32
      %dma_wait3A_237 = arith.constant 0 : i32
      %dma_wait3A_238 = tpu.memref_slice %arg11[%dma_wait3A_236, %dma_wait3A_237] : memref<10112x16xf32, #tpu.memory_space<vmem_shared>> -> memref<10112x16xf32, #tpu.memory_space<vmem_shared>>
      tpu.wait_indirect_dma semaphore(%arg15 : memref<!tpu.dma_semaphore, #tpu.memory_space<semaphore_mem>>) src(%dma_wait3A_238 : memref<10112x16xf32, #tpu.memory_space<vmem_shared>>) dst(%dma_wait3A_232 : memref<128x16xf32, #tpu.memory_space<vmem>>)
      %dma_start3A_239 = arith.constant 3 : i32
      %dma_start3A_240 = arith.constant 0 : i32
      %dma_start3A_241 = arith.constant 0 : i32
      %dma_start3A_242 = tpu.memref_slice %arg8[%dma_start3A_239, %dma_start3A_240, %dma_start3A_241] : memref<8x128x16xf32, #tpu.memory_space<vmem>> -> memref<1x128x16xf32, #tpu.memory_space<vmem>>
      %dma_start3A_243 = tpu.memref_squeeze %dma_start3A_242 : memref<1x128x16xf32, #tpu.memory_space<vmem>> -> memref<128x16xf32, #tpu.memory_space<vmem>>
      %dma_start3A_244 = arith.constant 0 : i32
      %dma_start3A_245 = tpu.memref_slice %arg7[%add3A_215, %dma_start3A_244] : memref<80x128xi32, #tpu.memory_space<vmem>> -> memref<1x128xi32, #tpu.memory_space<vmem>>
      %dma_start3A_246 = tpu.memref_squeeze %dma_start3A_245 : memref<1x128xi32, #tpu.memory_space<vmem>> -> memref<128xi32, #tpu.memory_space<vmem>>
      %dma_start3A_247 = arith.constant 0 : i32
      %dma_start3A_248 = arith.constant 0 : i32
      %dma_start3A_249 = tpu.memref_slice %arg10[%dma_start3A_247, %dma_start3A_248] : memref<10112x16xf32, #tpu.memory_space<vmem_shared>> -> memref<10112x16xf32, #tpu.memory_space<vmem_shared>>
      tpu.enqueue_indirect_dma source(%dma_start3A_243 : memref<128x16xf32, #tpu.memory_space<vmem>>) target(%dma_start3A_249 : memref<10112x16xf32, #tpu.memory_space<vmem_shared>>) offsets(%dma_start3A_246 : memref<128xi32, #tpu.memory_space<vmem>>) semaphore(%arg23 : memref<!tpu.dma_semaphore, #tpu.memory_space<semaphore_mem>>) {add = true}
      %add3A_250 = arith.constant 4 : i32
      %add3A_251 = arith.addi %mul3A_109, %add3A_250 : i32
      %ge3A_252 = arith.constant 6 : i32
      %ge3A_253 = arith.cmpi sge, %add3A_251, %ge3A_252 : i32
      %convert_element_type3A_254 = arith.extui %ge3A_253 : i1 to i32
      %cond3A_255 = arith.constant 0 : i32
      %cond3A_256 = arith.cmpi ne, %convert_element_type3A_254, %cond3A_255 : i32
      scf.if %cond3A_256 {
        %sub3A = arith.constant 6 : i32
        %sub3A_394 = arith.subi %add3A_251, %sub3A : i32
        %dma_wait3A_395 = arith.constant 6 : i32
        %dma_wait3A_396 = arith.constant 0 : i32
        %dma_wait3A_397 = arith.constant 0 : i32
        %dma_wait3A_398 = tpu.memref_slice %arg8[%dma_wait3A_395, %dma_wait3A_396, %dma_wait3A_397] : memref<8x128x16xf32, #tpu.memory_space<vmem>> -> memref<1x128x16xf32, #tpu.memory_space<vmem>>
        %dma_wait3A_399 = tpu.memref_squeeze %dma_wait3A_398 : memref<1x128x16xf32, #tpu.memory_space<vmem>> -> memref<128x16xf32, #tpu.memory_space<vmem>>
        %dma_wait3A_400 = arith.constant 0 : i32
        %dma_wait3A_401 = tpu.memref_slice %arg7[%sub3A_394, %dma_wait3A_400] : memref<80x128xi32, #tpu.memory_space<vmem>> -> memref<1x128xi32, #tpu.memory_space<vmem>>
        %dma_wait3A_402 = tpu.memref_squeeze %dma_wait3A_401 : memref<1x128xi32, #tpu.memory_space<vmem>> -> memref<128xi32, #tpu.memory_space<vmem>>
        %dma_wait3A_403 = arith.constant 0 : i32
        %dma_wait3A_404 = arith.constant 0 : i32
        %dma_wait3A_405 = tpu.memref_slice %arg10[%dma_wait3A_403, %dma_wait3A_404] : memref<10112x16xf32, #tpu.memory_space<vmem_shared>> -> memref<10112x16xf32, #tpu.memory_space<vmem_shared>>
        tpu.wait_indirect_dma semaphore(%arg26 : memref<!tpu.dma_semaphore, #tpu.memory_space<semaphore_mem>>) src(%dma_wait3A_399 : memref<128x16xf32, #tpu.memory_space<vmem>>) dst(%dma_wait3A_405 : memref<10112x16xf32, #tpu.memory_space<vmem_shared>>)
      } else {
      }
      %add3A_257 = arith.constant 2 : i32
      %add3A_258 = arith.addi %add3A_251, %add3A_257 : i32
      %lt3A_259 = arith.constant 80 : i32
      %lt3A_260 = arith.cmpi slt, %add3A_258, %lt3A_259 : i32
      %convert_element_type3A_261 = arith.extui %lt3A_260 : i1 to i32
      %cond3A_262 = arith.constant 0 : i32
      %cond3A_263 = arith.cmpi ne, %convert_element_type3A_261, %cond3A_262 : i32
      scf.if %cond3A_263 {
        %add3A_394 = arith.constant 2 : i32
        %add3A_395 = arith.addi %add3A_251, %add3A_394 : i32
        %dma_start3A_396 = arith.constant 6 : i32
        %dma_start3A_397 = arith.constant 0 : i32
        %dma_start3A_398 = arith.constant 0 : i32
        %dma_start3A_399 = tpu.memref_slice %arg8[%dma_start3A_396, %dma_start3A_397, %dma_start3A_398] : memref<8x128x16xf32, #tpu.memory_space<vmem>> -> memref<1x128x16xf32, #tpu.memory_space<vmem>>
        %dma_start3A_400 = tpu.memref_squeeze %dma_start3A_399 : memref<1x128x16xf32, #tpu.memory_space<vmem>> -> memref<128x16xf32, #tpu.memory_space<vmem>>
        %dma_start3A_401 = arith.constant 0 : i32
        %dma_start3A_402 = tpu.memref_slice %arg6[%add3A_395, %dma_start3A_401] : memref<80x128xi32, #tpu.memory_space<vmem>> -> memref<1x128xi32, #tpu.memory_space<vmem>>
        %dma_start3A_403 = tpu.memref_squeeze %dma_start3A_402 : memref<1x128xi32, #tpu.memory_space<vmem>> -> memref<128xi32, #tpu.memory_space<vmem>>
        %dma_start3A_404 = arith.constant 0 : i32
        %dma_start3A_405 = arith.constant 0 : i32
        %dma_start3A_406 = tpu.memref_slice %arg11[%dma_start3A_404, %dma_start3A_405] : memref<10112x16xf32, #tpu.memory_space<vmem_shared>> -> memref<10112x16xf32, #tpu.memory_space<vmem_shared>>
        tpu.enqueue_indirect_dma source(%dma_start3A_406 : memref<10112x16xf32, #tpu.memory_space<vmem_shared>>) target(%dma_start3A_400 : memref<128x16xf32, #tpu.memory_space<vmem>>) offsets(%dma_start3A_403 : memref<128xi32, #tpu.memory_space<vmem>>) semaphore(%arg18 : memref<!tpu.dma_semaphore, #tpu.memory_space<semaphore_mem>>)
      } else {
      }
      %dma_wait3A_264 = arith.constant 4 : i32
      %dma_wait3A_265 = arith.constant 0 : i32
      %dma_wait3A_266 = arith.constant 0 : i32
      %dma_wait3A_267 = tpu.memref_slice %arg8[%dma_wait3A_264, %dma_wait3A_265, %dma_wait3A_266] : memref<8x128x16xf32, #tpu.memory_space<vmem>> -> memref<1x128x16xf32, #tpu.memory_space<vmem>>
      %dma_wait3A_268 = tpu.memref_squeeze %dma_wait3A_267 : memref<1x128x16xf32, #tpu.memory_space<vmem>> -> memref<128x16xf32, #tpu.memory_space<vmem>>
      %dma_wait3A_269 = arith.constant 0 : i32
      %dma_wait3A_270 = tpu.memref_slice %arg6[%add3A_251, %dma_wait3A_269] : memref<80x128xi32, #tpu.memory_space<vmem>> -> memref<1x128xi32, #tpu.memory_space<vmem>>
      %dma_wait3A_271 = tpu.memref_squeeze %dma_wait3A_270 : memref<1x128xi32, #tpu.memory_space<vmem>> -> memref<128xi32, #tpu.memory_space<vmem>>
      %dma_wait3A_272 = arith.constant 0 : i32
      %dma_wait3A_273 = arith.constant 0 : i32
      %dma_wait3A_274 = tpu.memref_slice %arg11[%dma_wait3A_272, %dma_wait3A_273] : memref<10112x16xf32, #tpu.memory_space<vmem_shared>> -> memref<10112x16xf32, #tpu.memory_space<vmem_shared>>
      tpu.wait_indirect_dma semaphore(%arg16 : memref<!tpu.dma_semaphore, #tpu.memory_space<semaphore_mem>>) src(%dma_wait3A_274 : memref<10112x16xf32, #tpu.memory_space<vmem_shared>>) dst(%dma_wait3A_268 : memref<128x16xf32, #tpu.memory_space<vmem>>)
      %dma_start3A_275 = arith.constant 4 : i32
      %dma_start3A_276 = arith.constant 0 : i32
      %dma_start3A_277 = arith.constant 0 : i32
      %dma_start3A_278 = tpu.memref_slice %arg8[%dma_start3A_275, %dma_start3A_276, %dma_start3A_277] : memref<8x128x16xf32, #tpu.memory_space<vmem>> -> memref<1x128x16xf32, #tpu.memory_space<vmem>>
      %dma_start3A_279 = tpu.memref_squeeze %dma_start3A_278 : memref<1x128x16xf32, #tpu.memory_space<vmem>> -> memref<128x16xf32, #tpu.memory_space<vmem>>
      %dma_start3A_280 = arith.constant 0 : i32
      %dma_start3A_281 = tpu.memref_slice %arg7[%add3A_251, %dma_start3A_280] : memref<80x128xi32, #tpu.memory_space<vmem>> -> memref<1x128xi32, #tpu.memory_space<vmem>>
      %dma_start3A_282 = tpu.memref_squeeze %dma_start3A_281 : memref<1x128xi32, #tpu.memory_space<vmem>> -> memref<128xi32, #tpu.memory_space<vmem>>
      %dma_start3A_283 = arith.constant 0 : i32
      %dma_start3A_284 = arith.constant 0 : i32
      %dma_start3A_285 = tpu.memref_slice %arg10[%dma_start3A_283, %dma_start3A_284] : memref<10112x16xf32, #tpu.memory_space<vmem_shared>> -> memref<10112x16xf32, #tpu.memory_space<vmem_shared>>
      tpu.enqueue_indirect_dma source(%dma_start3A_279 : memref<128x16xf32, #tpu.memory_space<vmem>>) target(%dma_start3A_285 : memref<10112x16xf32, #tpu.memory_space<vmem_shared>>) offsets(%dma_start3A_282 : memref<128xi32, #tpu.memory_space<vmem>>) semaphore(%arg24 : memref<!tpu.dma_semaphore, #tpu.memory_space<semaphore_mem>>) {add = true}
      %add3A_286 = arith.constant 5 : i32
      %add3A_287 = arith.addi %mul3A_109, %add3A_286 : i32
      %ge3A_288 = arith.constant 6 : i32
      %ge3A_289 = arith.cmpi sge, %add3A_287, %ge3A_288 : i32
      %convert_element_type3A_290 = arith.extui %ge3A_289 : i1 to i32
      %cond3A_291 = arith.constant 0 : i32
      %cond3A_292 = arith.cmpi ne, %convert_element_type3A_290, %cond3A_291 : i32
      scf.if %cond3A_292 {
        %sub3A = arith.constant 6 : i32
        %sub3A_394 = arith.subi %add3A_287, %sub3A : i32
        %dma_wait3A_395 = arith.constant 7 : i32
        %dma_wait3A_396 = arith.constant 0 : i32
        %dma_wait3A_397 = arith.constant 0 : i32
        %dma_wait3A_398 = tpu.memref_slice %arg8[%dma_wait3A_395, %dma_wait3A_396, %dma_wait3A_397] : memref<8x128x16xf32, #tpu.memory_space<vmem>> -> memref<1x128x16xf32, #tpu.memory_space<vmem>>
        %dma_wait3A_399 = tpu.memref_squeeze %dma_wait3A_398 : memref<1x128x16xf32, #tpu.memory_space<vmem>> -> memref<128x16xf32, #tpu.memory_space<vmem>>
        %dma_wait3A_400 = arith.constant 0 : i32
        %dma_wait3A_401 = tpu.memref_slice %arg7[%sub3A_394, %dma_wait3A_400] : memref<80x128xi32, #tpu.memory_space<vmem>> -> memref<1x128xi32, #tpu.memory_space<vmem>>
        %dma_wait3A_402 = tpu.memref_squeeze %dma_wait3A_401 : memref<1x128xi32, #tpu.memory_space<vmem>> -> memref<128xi32, #tpu.memory_space<vmem>>
        %dma_wait3A_403 = arith.constant 0 : i32
        %dma_wait3A_404 = arith.constant 0 : i32
        %dma_wait3A_405 = tpu.memref_slice %arg10[%dma_wait3A_403, %dma_wait3A_404] : memref<10112x16xf32, #tpu.memory_space<vmem_shared>> -> memref<10112x16xf32, #tpu.memory_space<vmem_shared>>
        tpu.wait_indirect_dma semaphore(%arg27 : memref<!tpu.dma_semaphore, #tpu.memory_space<semaphore_mem>>) src(%dma_wait3A_399 : memref<128x16xf32, #tpu.memory_space<vmem>>) dst(%dma_wait3A_405 : memref<10112x16xf32, #tpu.memory_space<vmem_shared>>)
      } else {
      }
      %add3A_293 = arith.constant 2 : i32
      %add3A_294 = arith.addi %add3A_287, %add3A_293 : i32
      %lt3A_295 = arith.constant 80 : i32
      %lt3A_296 = arith.cmpi slt, %add3A_294, %lt3A_295 : i32
      %convert_element_type3A_297 = arith.extui %lt3A_296 : i1 to i32
      %cond3A_298 = arith.constant 0 : i32
      %cond3A_299 = arith.cmpi ne, %convert_element_type3A_297, %cond3A_298 : i32
      scf.if %cond3A_299 {
        %add3A_394 = arith.constant 2 : i32
        %add3A_395 = arith.addi %add3A_287, %add3A_394 : i32
        %dma_start3A_396 = arith.constant 7 : i32
        %dma_start3A_397 = arith.constant 0 : i32
        %dma_start3A_398 = arith.constant 0 : i32
        %dma_start3A_399 = tpu.memref_slice %arg8[%dma_start3A_396, %dma_start3A_397, %dma_start3A_398] : memref<8x128x16xf32, #tpu.memory_space<vmem>> -> memref<1x128x16xf32, #tpu.memory_space<vmem>>
        %dma_start3A_400 = tpu.memref_squeeze %dma_start3A_399 : memref<1x128x16xf32, #tpu.memory_space<vmem>> -> memref<128x16xf32, #tpu.memory_space<vmem>>
        %dma_start3A_401 = arith.constant 0 : i32
        %dma_start3A_402 = tpu.memref_slice %arg6[%add3A_395, %dma_start3A_401] : memref<80x128xi32, #tpu.memory_space<vmem>> -> memref<1x128xi32, #tpu.memory_space<vmem>>
        %dma_start3A_403 = tpu.memref_squeeze %dma_start3A_402 : memref<1x128xi32, #tpu.memory_space<vmem>> -> memref<128xi32, #tpu.memory_space<vmem>>
        %dma_start3A_404 = arith.constant 0 : i32
        %dma_start3A_405 = arith.constant 0 : i32
        %dma_start3A_406 = tpu.memref_slice %arg11[%dma_start3A_404, %dma_start3A_405] : memref<10112x16xf32, #tpu.memory_space<vmem_shared>> -> memref<10112x16xf32, #tpu.memory_space<vmem_shared>>
        tpu.enqueue_indirect_dma source(%dma_start3A_406 : memref<10112x16xf32, #tpu.memory_space<vmem_shared>>) target(%dma_start3A_400 : memref<128x16xf32, #tpu.memory_space<vmem>>) offsets(%dma_start3A_403 : memref<128xi32, #tpu.memory_space<vmem>>) semaphore(%arg19 : memref<!tpu.dma_semaphore, #tpu.memory_space<semaphore_mem>>)
      } else {
      }
      %dma_wait3A_300 = arith.constant 5 : i32
      %dma_wait3A_301 = arith.constant 0 : i32
      %dma_wait3A_302 = arith.constant 0 : i32
      %dma_wait3A_303 = tpu.memref_slice %arg8[%dma_wait3A_300, %dma_wait3A_301, %dma_wait3A_302] : memref<8x128x16xf32, #tpu.memory_space<vmem>> -> memref<1x128x16xf32, #tpu.memory_space<vmem>>
      %dma_wait3A_304 = tpu.memref_squeeze %dma_wait3A_303 : memref<1x128x16xf32, #tpu.memory_space<vmem>> -> memref<128x16xf32, #tpu.memory_space<vmem>>
      %dma_wait3A_305 = arith.constant 0 : i32
      %dma_wait3A_306 = tpu.memref_slice %arg6[%add3A_287, %dma_wait3A_305] : memref<80x128xi32, #tpu.memory_space<vmem>> -> memref<1x128xi32, #tpu.memory_space<vmem>>
      %dma_wait3A_307 = tpu.memref_squeeze %dma_wait3A_306 : memref<1x128xi32, #tpu.memory_space<vmem>> -> memref<128xi32, #tpu.memory_space<vmem>>
      %dma_wait3A_308 = arith.constant 0 : i32
      %dma_wait3A_309 = arith.constant 0 : i32
      %dma_wait3A_310 = tpu.memref_slice %arg11[%dma_wait3A_308, %dma_wait3A_309] : memref<10112x16xf32, #tpu.memory_space<vmem_shared>> -> memref<10112x16xf32, #tpu.memory_space<vmem_shared>>
      tpu.wait_indirect_dma semaphore(%arg17 : memref<!tpu.dma_semaphore, #tpu.memory_space<semaphore_mem>>) src(%dma_wait3A_310 : memref<10112x16xf32, #tpu.memory_space<vmem_shared>>) dst(%dma_wait3A_304 : memref<128x16xf32, #tpu.memory_space<vmem>>)
      %dma_start3A_311 = arith.constant 5 : i32
      %dma_start3A_312 = arith.constant 0 : i32
      %dma_start3A_313 = arith.constant 0 : i32
      %dma_start3A_314 = tpu.memref_slice %arg8[%dma_start3A_311, %dma_start3A_312, %dma_start3A_313] : memref<8x128x16xf32, #tpu.memory_space<vmem>> -> memref<1x128x16xf32, #tpu.memory_space<vmem>>
      %dma_start3A_315 = tpu.memref_squeeze %dma_start3A_314 : memref<1x128x16xf32, #tpu.memory_space<vmem>> -> memref<128x16xf32, #tpu.memory_space<vmem>>
      %dma_start3A_316 = arith.constant 0 : i32
      %dma_start3A_317 = tpu.memref_slice %arg7[%add3A_287, %dma_start3A_316] : memref<80x128xi32, #tpu.memory_space<vmem>> -> memref<1x128xi32, #tpu.memory_space<vmem>>
      %dma_start3A_318 = tpu.memref_squeeze %dma_start3A_317 : memref<1x128xi32, #tpu.memory_space<vmem>> -> memref<128xi32, #tpu.memory_space<vmem>>
      %dma_start3A_319 = arith.constant 0 : i32
      %dma_start3A_320 = arith.constant 0 : i32
      %dma_start3A_321 = tpu.memref_slice %arg10[%dma_start3A_319, %dma_start3A_320] : memref<10112x16xf32, #tpu.memory_space<vmem_shared>> -> memref<10112x16xf32, #tpu.memory_space<vmem_shared>>
      tpu.enqueue_indirect_dma source(%dma_start3A_315 : memref<128x16xf32, #tpu.memory_space<vmem>>) target(%dma_start3A_321 : memref<10112x16xf32, #tpu.memory_space<vmem_shared>>) offsets(%dma_start3A_318 : memref<128xi32, #tpu.memory_space<vmem>>) semaphore(%arg25 : memref<!tpu.dma_semaphore, #tpu.memory_space<semaphore_mem>>) {add = true}
      %add3A_322 = arith.constant 6 : i32
      %add3A_323 = arith.addi %mul3A_109, %add3A_322 : i32
      %ge3A_324 = arith.constant 6 : i32
      %ge3A_325 = arith.cmpi sge, %add3A_323, %ge3A_324 : i32
      %convert_element_type3A_326 = arith.extui %ge3A_325 : i1 to i32
      %cond3A_327 = arith.constant 0 : i32
      %cond3A_328 = arith.cmpi ne, %convert_element_type3A_326, %cond3A_327 : i32
      scf.if %cond3A_328 {
        %sub3A = arith.constant 6 : i32
        %sub3A_394 = arith.subi %add3A_323, %sub3A : i32
        %dma_wait3A_395 = arith.constant 0 : i32
        %dma_wait3A_396 = arith.constant 0 : i32
        %dma_wait3A_397 = arith.constant 0 : i32
        %dma_wait3A_398 = tpu.memref_slice %arg8[%dma_wait3A_395, %dma_wait3A_396, %dma_wait3A_397] : memref<8x128x16xf32, #tpu.memory_space<vmem>> -> memref<1x128x16xf32, #tpu.memory_space<vmem>>
        %dma_wait3A_399 = tpu.memref_squeeze %dma_wait3A_398 : memref<1x128x16xf32, #tpu.memory_space<vmem>> -> memref<128x16xf32, #tpu.memory_space<vmem>>
        %dma_wait3A_400 = arith.constant 0 : i32
        %dma_wait3A_401 = tpu.memref_slice %arg7[%sub3A_394, %dma_wait3A_400] : memref<80x128xi32, #tpu.memory_space<vmem>> -> memref<1x128xi32, #tpu.memory_space<vmem>>
        %dma_wait3A_402 = tpu.memref_squeeze %dma_wait3A_401 : memref<1x128xi32, #tpu.memory_space<vmem>> -> memref<128xi32, #tpu.memory_space<vmem>>
        %dma_wait3A_403 = arith.constant 0 : i32
        %dma_wait3A_404 = arith.constant 0 : i32
        %dma_wait3A_405 = tpu.memref_slice %arg10[%dma_wait3A_403, %dma_wait3A_404] : memref<10112x16xf32, #tpu.memory_space<vmem_shared>> -> memref<10112x16xf32, #tpu.memory_space<vmem_shared>>
        tpu.wait_indirect_dma semaphore(%arg20 : memref<!tpu.dma_semaphore, #tpu.memory_space<semaphore_mem>>) src(%dma_wait3A_399 : memref<128x16xf32, #tpu.memory_space<vmem>>) dst(%dma_wait3A_405 : memref<10112x16xf32, #tpu.memory_space<vmem_shared>>)
      } else {
      }
      %add3A_329 = arith.constant 2 : i32
      %add3A_330 = arith.addi %add3A_323, %add3A_329 : i32
      %lt3A_331 = arith.constant 80 : i32
      %lt3A_332 = arith.cmpi slt, %add3A_330, %lt3A_331 : i32
      %convert_element_type3A_333 = arith.extui %lt3A_332 : i1 to i32
      %cond3A_334 = arith.constant 0 : i32
      %cond3A_335 = arith.cmpi ne, %convert_element_type3A_333, %cond3A_334 : i32
      scf.if %cond3A_335 {
        %add3A_394 = arith.constant 2 : i32
        %add3A_395 = arith.addi %add3A_323, %add3A_394 : i32
        %dma_start3A_396 = arith.constant 0 : i32
        %dma_start3A_397 = arith.constant 0 : i32
        %dma_start3A_398 = arith.constant 0 : i32
        %dma_start3A_399 = tpu.memref_slice %arg8[%dma_start3A_396, %dma_start3A_397, %dma_start3A_398] : memref<8x128x16xf32, #tpu.memory_space<vmem>> -> memref<1x128x16xf32, #tpu.memory_space<vmem>>
        %dma_start3A_400 = tpu.memref_squeeze %dma_start3A_399 : memref<1x128x16xf32, #tpu.memory_space<vmem>> -> memref<128x16xf32, #tpu.memory_space<vmem>>
        %dma_start3A_401 = arith.constant 0 : i32
        %dma_start3A_402 = tpu.memref_slice %arg6[%add3A_395, %dma_start3A_401] : memref<80x128xi32, #tpu.memory_space<vmem>> -> memref<1x128xi32, #tpu.memory_space<vmem>>
        %dma_start3A_403 = tpu.memref_squeeze %dma_start3A_402 : memref<1x128xi32, #tpu.memory_space<vmem>> -> memref<128xi32, #tpu.memory_space<vmem>>
        %dma_start3A_404 = arith.constant 0 : i32
        %dma_start3A_405 = arith.constant 0 : i32
        %dma_start3A_406 = tpu.memref_slice %arg11[%dma_start3A_404, %dma_start3A_405] : memref<10112x16xf32, #tpu.memory_space<vmem_shared>> -> memref<10112x16xf32, #tpu.memory_space<vmem_shared>>
        tpu.enqueue_indirect_dma source(%dma_start3A_406 : memref<10112x16xf32, #tpu.memory_space<vmem_shared>>) target(%dma_start3A_400 : memref<128x16xf32, #tpu.memory_space<vmem>>) offsets(%dma_start3A_403 : memref<128xi32, #tpu.memory_space<vmem>>) semaphore(%arg12 : memref<!tpu.dma_semaphore, #tpu.memory_space<semaphore_mem>>)
      } else {
      }
      %dma_wait3A_336 = arith.constant 6 : i32
      %dma_wait3A_337 = arith.constant 0 : i32
      %dma_wait3A_338 = arith.constant 0 : i32
      %dma_wait3A_339 = tpu.memref_slice %arg8[%dma_wait3A_336, %dma_wait3A_337, %dma_wait3A_338] : memref<8x128x16xf32, #tpu.memory_space<vmem>> -> memref<1x128x16xf32, #tpu.memory_space<vmem>>
      %dma_wait3A_340 = tpu.memref_squeeze %dma_wait3A_339 : memref<1x128x16xf32, #tpu.memory_space<vmem>> -> memref<128x16xf32, #tpu.memory_space<vmem>>
      %dma_wait3A_341 = arith.constant 0 : i32
      %dma_wait3A_342 = tpu.memref_slice %arg6[%add3A_323, %dma_wait3A_341] : memref<80x128xi32, #tpu.memory_space<vmem>> -> memref<1x128xi32, #tpu.memory_space<vmem>>
      %dma_wait3A_343 = tpu.memref_squeeze %dma_wait3A_342 : memref<1x128xi32, #tpu.memory_space<vmem>> -> memref<128xi32, #tpu.memory_space<vmem>>
      %dma_wait3A_344 = arith.constant 0 : i32
      %dma_wait3A_345 = arith.constant 0 : i32
      %dma_wait3A_346 = tpu.memref_slice %arg11[%dma_wait3A_344, %dma_wait3A_345] : memref<10112x16xf32, #tpu.memory_space<vmem_shared>> -> memref<10112x16xf32, #tpu.memory_space<vmem_shared>>
      tpu.wait_indirect_dma semaphore(%arg18 : memref<!tpu.dma_semaphore, #tpu.memory_space<semaphore_mem>>) src(%dma_wait3A_346 : memref<10112x16xf32, #tpu.memory_space<vmem_shared>>) dst(%dma_wait3A_340 : memref<128x16xf32, #tpu.memory_space<vmem>>)
      %dma_start3A_347 = arith.constant 6 : i32
      %dma_start3A_348 = arith.constant 0 : i32
      %dma_start3A_349 = arith.constant 0 : i32
      %dma_start3A_350 = tpu.memref_slice %arg8[%dma_start3A_347, %dma_start3A_348, %dma_start3A_349] : memref<8x128x16xf32, #tpu.memory_space<vmem>> -> memref<1x128x16xf32, #tpu.memory_space<vmem>>
      %dma_start3A_351 = tpu.memref_squeeze %dma_start3A_350 : memref<1x128x16xf32, #tpu.memory_space<vmem>> -> memref<128x16xf32, #tpu.memory_space<vmem>>
      %dma_start3A_352 = arith.constant 0 : i32
      %dma_start3A_353 = tpu.memref_slice %arg7[%add3A_323, %dma_start3A_352] : memref<80x128xi32, #tpu.memory_space<vmem>> -> memref<1x128xi32, #tpu.memory_space<vmem>>
      %dma_start3A_354 = tpu.memref_squeeze %dma_start3A_353 : memref<1x128xi32, #tpu.memory_space<vmem>> -> memref<128xi32, #tpu.memory_space<vmem>>
      %dma_start3A_355 = arith.constant 0 : i32
      %dma_start3A_356 = arith.constant 0 : i32
      %dma_start3A_357 = tpu.memref_slice %arg10[%dma_start3A_355, %dma_start3A_356] : memref<10112x16xf32, #tpu.memory_space<vmem_shared>> -> memref<10112x16xf32, #tpu.memory_space<vmem_shared>>
      tpu.enqueue_indirect_dma source(%dma_start3A_351 : memref<128x16xf32, #tpu.memory_space<vmem>>) target(%dma_start3A_357 : memref<10112x16xf32, #tpu.memory_space<vmem_shared>>) offsets(%dma_start3A_354 : memref<128xi32, #tpu.memory_space<vmem>>) semaphore(%arg26 : memref<!tpu.dma_semaphore, #tpu.memory_space<semaphore_mem>>) {add = true}
      %add3A_358 = arith.constant 7 : i32
      %add3A_359 = arith.addi %mul3A_109, %add3A_358 : i32
      %ge3A_360 = arith.constant 6 : i32
      %ge3A_361 = arith.cmpi sge, %add3A_359, %ge3A_360 : i32
      %convert_element_type3A_362 = arith.extui %ge3A_361 : i1 to i32
      %cond3A_363 = arith.constant 0 : i32
      %cond3A_364 = arith.cmpi ne, %convert_element_type3A_362, %cond3A_363 : i32
      scf.if %cond3A_364 {
        %sub3A = arith.constant 6 : i32
        %sub3A_394 = arith.subi %add3A_359, %sub3A : i32
        %dma_wait3A_395 = arith.constant 1 : i32
        %dma_wait3A_396 = arith.constant 0 : i32
        %dma_wait3A_397 = arith.constant 0 : i32
        %dma_wait3A_398 = tpu.memref_slice %arg8[%dma_wait3A_395, %dma_wait3A_396, %dma_wait3A_397] : memref<8x128x16xf32, #tpu.memory_space<vmem>> -> memref<1x128x16xf32, #tpu.memory_space<vmem>>
        %dma_wait3A_399 = tpu.memref_squeeze %dma_wait3A_398 : memref<1x128x16xf32, #tpu.memory_space<vmem>> -> memref<128x16xf32, #tpu.memory_space<vmem>>
        %dma_wait3A_400 = arith.constant 0 : i32
        %dma_wait3A_401 = tpu.memref_slice %arg7[%sub3A_394, %dma_wait3A_400] : memref<80x128xi32, #tpu.memory_space<vmem>> -> memref<1x128xi32, #tpu.memory_space<vmem>>
        %dma_wait3A_402 = tpu.memref_squeeze %dma_wait3A_401 : memref<1x128xi32, #tpu.memory_space<vmem>> -> memref<128xi32, #tpu.memory_space<vmem>>
        %dma_wait3A_403 = arith.constant 0 : i32
        %dma_wait3A_404 = arith.constant 0 : i32
        %dma_wait3A_405 = tpu.memref_slice %arg10[%dma_wait3A_403, %dma_wait3A_404] : memref<10112x16xf32, #tpu.memory_space<vmem_shared>> -> memref<10112x16xf32, #tpu.memory_space<vmem_shared>>
        tpu.wait_indirect_dma semaphore(%arg21 : memref<!tpu.dma_semaphore, #tpu.memory_space<semaphore_mem>>) src(%dma_wait3A_399 : memref<128x16xf32, #tpu.memory_space<vmem>>) dst(%dma_wait3A_405 : memref<10112x16xf32, #tpu.memory_space<vmem_shared>>)
      } else {
      }
      %add3A_365 = arith.constant 2 : i32
      %add3A_366 = arith.addi %add3A_359, %add3A_365 : i32
      %lt3A_367 = arith.constant 80 : i32
      %lt3A_368 = arith.cmpi slt, %add3A_366, %lt3A_367 : i32
      %convert_element_type3A_369 = arith.extui %lt3A_368 : i1 to i32
      %cond3A_370 = arith.constant 0 : i32
      %cond3A_371 = arith.cmpi ne, %convert_element_type3A_369, %cond3A_370 : i32
      scf.if %cond3A_371 {
        %add3A_394 = arith.constant 2 : i32
        %add3A_395 = arith.addi %add3A_359, %add3A_394 : i32
        %dma_start3A_396 = arith.constant 1 : i32
        %dma_start3A_397 = arith.constant 0 : i32
        %dma_start3A_398 = arith.constant 0 : i32
        %dma_start3A_399 = tpu.memref_slice %arg8[%dma_start3A_396, %dma_start3A_397, %dma_start3A_398] : memref<8x128x16xf32, #tpu.memory_space<vmem>> -> memref<1x128x16xf32, #tpu.memory_space<vmem>>
        %dma_start3A_400 = tpu.memref_squeeze %dma_start3A_399 : memref<1x128x16xf32, #tpu.memory_space<vmem>> -> memref<128x16xf32, #tpu.memory_space<vmem>>
        %dma_start3A_401 = arith.constant 0 : i32
        %dma_start3A_402 = tpu.memref_slice %arg6[%add3A_395, %dma_start3A_401] : memref<80x128xi32, #tpu.memory_space<vmem>> -> memref<1x128xi32, #tpu.memory_space<vmem>>
        %dma_start3A_403 = tpu.memref_squeeze %dma_start3A_402 : memref<1x128xi32, #tpu.memory_space<vmem>> -> memref<128xi32, #tpu.memory_space<vmem>>
        %dma_start3A_404 = arith.constant 0 : i32
        %dma_start3A_405 = arith.constant 0 : i32
        %dma_start3A_406 = tpu.memref_slice %arg11[%dma_start3A_404, %dma_start3A_405] : memref<10112x16xf32, #tpu.memory_space<vmem_shared>> -> memref<10112x16xf32, #tpu.memory_space<vmem_shared>>
        tpu.enqueue_indirect_dma source(%dma_start3A_406 : memref<10112x16xf32, #tpu.memory_space<vmem_shared>>) target(%dma_start3A_400 : memref<128x16xf32, #tpu.memory_space<vmem>>) offsets(%dma_start3A_403 : memref<128xi32, #tpu.memory_space<vmem>>) semaphore(%arg13 : memref<!tpu.dma_semaphore, #tpu.memory_space<semaphore_mem>>)
      } else {
      }
      %dma_wait3A_372 = arith.constant 7 : i32
      %dma_wait3A_373 = arith.constant 0 : i32
      %dma_wait3A_374 = arith.constant 0 : i32
      %dma_wait3A_375 = tpu.memref_slice %arg8[%dma_wait3A_372, %dma_wait3A_373, %dma_wait3A_374] : memref<8x128x16xf32, #tpu.memory_space<vmem>> -> memref<1x128x16xf32, #tpu.memory_space<vmem>>
      %dma_wait3A_376 = tpu.memref_squeeze %dma_wait3A_375 : memref<1x128x16xf32, #tpu.memory_space<vmem>> -> memref<128x16xf32, #tpu.memory_space<vmem>>
      %dma_wait3A_377 = arith.constant 0 : i32
      %dma_wait3A_378 = tpu.memref_slice %arg6[%add3A_359, %dma_wait3A_377] : memref<80x128xi32, #tpu.memory_space<vmem>> -> memref<1x128xi32, #tpu.memory_space<vmem>>
      %dma_wait3A_379 = tpu.memref_squeeze %dma_wait3A_378 : memref<1x128xi32, #tpu.memory_space<vmem>> -> memref<128xi32, #tpu.memory_space<vmem>>
      %dma_wait3A_380 = arith.constant 0 : i32
      %dma_wait3A_381 = arith.constant 0 : i32
      %dma_wait3A_382 = tpu.memref_slice %arg11[%dma_wait3A_380, %dma_wait3A_381] : memref<10112x16xf32, #tpu.memory_space<vmem_shared>> -> memref<10112x16xf32, #tpu.memory_space<vmem_shared>>
      tpu.wait_indirect_dma semaphore(%arg19 : memref<!tpu.dma_semaphore, #tpu.memory_space<semaphore_mem>>) src(%dma_wait3A_382 : memref<10112x16xf32, #tpu.memory_space<vmem_shared>>) dst(%dma_wait3A_376 : memref<128x16xf32, #tpu.memory_space<vmem>>)
      %dma_start3A_383 = arith.constant 7 : i32
      %dma_start3A_384 = arith.constant 0 : i32
      %dma_start3A_385 = arith.constant 0 : i32
      %dma_start3A_386 = tpu.memref_slice %arg8[%dma_start3A_383, %dma_start3A_384, %dma_start3A_385] : memref<8x128x16xf32, #tpu.memory_space<vmem>> -> memref<1x128x16xf32, #tpu.memory_space<vmem>>
      %dma_start3A_387 = tpu.memref_squeeze %dma_start3A_386 : memref<1x128x16xf32, #tpu.memory_space<vmem>> -> memref<128x16xf32, #tpu.memory_space<vmem>>
      %dma_start3A_388 = arith.constant 0 : i32
      %dma_start3A_389 = tpu.memref_slice %arg7[%add3A_359, %dma_start3A_388] : memref<80x128xi32, #tpu.memory_space<vmem>> -> memref<1x128xi32, #tpu.memory_space<vmem>>
      %dma_start3A_390 = tpu.memref_squeeze %dma_start3A_389 : memref<1x128xi32, #tpu.memory_space<vmem>> -> memref<128xi32, #tpu.memory_space<vmem>>
      %dma_start3A_391 = arith.constant 0 : i32
      %dma_start3A_392 = arith.constant 0 : i32
      %dma_start3A_393 = tpu.memref_slice %arg10[%dma_start3A_391, %dma_start3A_392] : memref<10112x16xf32, #tpu.memory_space<vmem_shared>> -> memref<10112x16xf32, #tpu.memory_space<vmem_shared>>
      tpu.enqueue_indirect_dma source(%dma_start3A_387 : memref<128x16xf32, #tpu.memory_space<vmem>>) target(%dma_start3A_393 : memref<10112x16xf32, #tpu.memory_space<vmem_shared>>) offsets(%dma_start3A_390 : memref<128xi32, #tpu.memory_space<vmem>>) semaphore(%arg27 : memref<!tpu.dma_semaphore, #tpu.memory_space<semaphore_mem>>) {add = true}
    }
    %scan3A_34 = arith.constant 10 : i32
    %dma_wait3A = arith.constant 2 : i32
    %dma_wait3A_35 = arith.constant 74 : i32
    %dma_wait3A_36 = arith.constant 0 : i32
    %dma_wait3A_37 = arith.constant 0 : i32
    %dma_wait3A_38 = tpu.memref_slice %arg8[%dma_wait3A, %dma_wait3A_36, %dma_wait3A_37] : memref<8x128x16xf32, #tpu.memory_space<vmem>> -> memref<1x128x16xf32, #tpu.memory_space<vmem>>
    %dma_wait3A_39 = tpu.memref_squeeze %dma_wait3A_38 : memref<1x128x16xf32, #tpu.memory_space<vmem>> -> memref<128x16xf32, #tpu.memory_space<vmem>>
    %dma_wait3A_40 = arith.constant 0 : i32
    %dma_wait3A_41 = tpu.memref_slice %arg7[%dma_wait3A_35, %dma_wait3A_40] : memref<80x128xi32, #tpu.memory_space<vmem>> -> memref<1x128xi32, #tpu.memory_space<vmem>>
    %dma_wait3A_42 = tpu.memref_squeeze %dma_wait3A_41 : memref<1x128xi32, #tpu.memory_space<vmem>> -> memref<128xi32, #tpu.memory_space<vmem>>
    %dma_wait3A_43 = arith.constant 0 : i32
    %dma_wait3A_44 = arith.constant 0 : i32
    %dma_wait3A_45 = tpu.memref_slice %arg10[%dma_wait3A_43, %dma_wait3A_44] : memref<10112x16xf32, #tpu.memory_space<vmem_shared>> -> memref<10112x16xf32, #tpu.memory_space<vmem_shared>>
    tpu.wait_indirect_dma semaphore(%arg22 : memref<!tpu.dma_semaphore, #tpu.memory_space<semaphore_mem>>) src(%dma_wait3A_39 : memref<128x16xf32, #tpu.memory_space<vmem>>) dst(%dma_wait3A_45 : memref<10112x16xf32, #tpu.memory_space<vmem_shared>>)
    %dma_wait3A_46 = arith.constant 3 : i32
    %dma_wait3A_47 = arith.constant 75 : i32
    %dma_wait3A_48 = arith.constant 0 : i32
    %dma_wait3A_49 = arith.constant 0 : i32
    %dma_wait3A_50 = tpu.memref_slice %arg8[%dma_wait3A_46, %dma_wait3A_48, %dma_wait3A_49] : memref<8x128x16xf32, #tpu.memory_space<vmem>> -> memref<1x128x16xf32, #tpu.memory_space<vmem>>
    %dma_wait3A_51 = tpu.memref_squeeze %dma_wait3A_50 : memref<1x128x16xf32, #tpu.memory_space<vmem>> -> memref<128x16xf32, #tpu.memory_space<vmem>>
    %dma_wait3A_52 = arith.constant 0 : i32
    %dma_wait3A_53 = tpu.memref_slice %arg7[%dma_wait3A_47, %dma_wait3A_52] : memref<80x128xi32, #tpu.memory_space<vmem>> -> memref<1x128xi32, #tpu.memory_space<vmem>>
    %dma_wait3A_54 = tpu.memref_squeeze %dma_wait3A_53 : memref<1x128xi32, #tpu.memory_space<vmem>> -> memref<128xi32, #tpu.memory_space<vmem>>
    %dma_wait3A_55 = arith.constant 0 : i32
    %dma_wait3A_56 = arith.constant 0 : i32
    %dma_wait3A_57 = tpu.memref_slice %arg10[%dma_wait3A_55, %dma_wait3A_56] : memref<10112x16xf32, #tpu.memory_space<vmem_shared>> -> memref<10112x16xf32, #tpu.memory_space<vmem_shared>>
    tpu.wait_indirect_dma semaphore(%arg23 : memref<!tpu.dma_semaphore, #tpu.memory_space<semaphore_mem>>) src(%dma_wait3A_51 : memref<128x16xf32, #tpu.memory_space<vmem>>) dst(%dma_wait3A_57 : memref<10112x16xf32, #tpu.memory_space<vmem_shared>>)
    %dma_wait3A_58 = arith.constant 4 : i32
    %dma_wait3A_59 = arith.constant 76 : i32
    %dma_wait3A_60 = arith.constant 0 : i32
    %dma_wait3A_61 = arith.constant 0 : i32
    %dma_wait3A_62 = tpu.memref_slice %arg8[%dma_wait3A_58, %dma_wait3A_60, %dma_wait3A_61] : memref<8x128x16xf32, #tpu.memory_space<vmem>> -> memref<1x128x16xf32, #tpu.memory_space<vmem>>
    %dma_wait3A_63 = tpu.memref_squeeze %dma_wait3A_62 : memref<1x128x16xf32, #tpu.memory_space<vmem>> -> memref<128x16xf32, #tpu.memory_space<vmem>>
    %dma_wait3A_64 = arith.constant 0 : i32
    %dma_wait3A_65 = tpu.memref_slice %arg7[%dma_wait3A_59, %dma_wait3A_64] : memref<80x128xi32, #tpu.memory_space<vmem>> -> memref<1x128xi32, #tpu.memory_space<vmem>>
    %dma_wait3A_66 = tpu.memref_squeeze %dma_wait3A_65 : memref<1x128xi32, #tpu.memory_space<vmem>> -> memref<128xi32, #tpu.memory_space<vmem>>
    %dma_wait3A_67 = arith.constant 0 : i32
    %dma_wait3A_68 = arith.constant 0 : i32
    %dma_wait3A_69 = tpu.memref_slice %arg10[%dma_wait3A_67, %dma_wait3A_68] : memref<10112x16xf32, #tpu.memory_space<vmem_shared>> -> memref<10112x16xf32, #tpu.memory_space<vmem_shared>>
    tpu.wait_indirect_dma semaphore(%arg24 : memref<!tpu.dma_semaphore, #tpu.memory_space<semaphore_mem>>) src(%dma_wait3A_63 : memref<128x16xf32, #tpu.memory_space<vmem>>) dst(%dma_wait3A_69 : memref<10112x16xf32, #tpu.memory_space<vmem_shared>>)
    %dma_wait3A_70 = arith.constant 5 : i32
    %dma_wait3A_71 = arith.constant 77 : i32
    %dma_wait3A_72 = arith.constant 0 : i32
    %dma_wait3A_73 = arith.constant 0 : i32
    %dma_wait3A_74 = tpu.memref_slice %arg8[%dma_wait3A_70, %dma_wait3A_72, %dma_wait3A_73] : memref<8x128x16xf32, #tpu.memory_space<vmem>> -> memref<1x128x16xf32, #tpu.memory_space<vmem>>
    %dma_wait3A_75 = tpu.memref_squeeze %dma_wait3A_74 : memref<1x128x16xf32, #tpu.memory_space<vmem>> -> memref<128x16xf32, #tpu.memory_space<vmem>>
    %dma_wait3A_76 = arith.constant 0 : i32
    %dma_wait3A_77 = tpu.memref_slice %arg7[%dma_wait3A_71, %dma_wait3A_76] : memref<80x128xi32, #tpu.memory_space<vmem>> -> memref<1x128xi32, #tpu.memory_space<vmem>>
    %dma_wait3A_78 = tpu.memref_squeeze %dma_wait3A_77 : memref<1x128xi32, #tpu.memory_space<vmem>> -> memref<128xi32, #tpu.memory_space<vmem>>
    %dma_wait3A_79 = arith.constant 0 : i32
    %dma_wait3A_80 = arith.constant 0 : i32
    %dma_wait3A_81 = tpu.memref_slice %arg10[%dma_wait3A_79, %dma_wait3A_80] : memref<10112x16xf32, #tpu.memory_space<vmem_shared>> -> memref<10112x16xf32, #tpu.memory_space<vmem_shared>>
    tpu.wait_indirect_dma semaphore(%arg25 : memref<!tpu.dma_semaphore, #tpu.memory_space<semaphore_mem>>) src(%dma_wait3A_75 : memref<128x16xf32, #tpu.memory_space<vmem>>) dst(%dma_wait3A_81 : memref<10112x16xf32, #tpu.memory_space<vmem_shared>>)
    %dma_wait3A_82 = arith.constant 6 : i32
    %dma_wait3A_83 = arith.constant 78 : i32
    %dma_wait3A_84 = arith.constant 0 : i32
    %dma_wait3A_85 = arith.constant 0 : i32
    %dma_wait3A_86 = tpu.memref_slice %arg8[%dma_wait3A_82, %dma_wait3A_84, %dma_wait3A_85] : memref<8x128x16xf32, #tpu.memory_space<vmem>> -> memref<1x128x16xf32, #tpu.memory_space<vmem>>
    %dma_wait3A_87 = tpu.memref_squeeze %dma_wait3A_86 : memref<1x128x16xf32, #tpu.memory_space<vmem>> -> memref<128x16xf32, #tpu.memory_space<vmem>>
    %dma_wait3A_88 = arith.constant 0 : i32
    %dma_wait3A_89 = tpu.memref_slice %arg7[%dma_wait3A_83, %dma_wait3A_88] : memref<80x128xi32, #tpu.memory_space<vmem>> -> memref<1x128xi32, #tpu.memory_space<vmem>>
    %dma_wait3A_90 = tpu.memref_squeeze %dma_wait3A_89 : memref<1x128xi32, #tpu.memory_space<vmem>> -> memref<128xi32, #tpu.memory_space<vmem>>
    %dma_wait3A_91 = arith.constant 0 : i32
    %dma_wait3A_92 = arith.constant 0 : i32
    %dma_wait3A_93 = tpu.memref_slice %arg10[%dma_wait3A_91, %dma_wait3A_92] : memref<10112x16xf32, #tpu.memory_space<vmem_shared>> -> memref<10112x16xf32, #tpu.memory_space<vmem_shared>>
    tpu.wait_indirect_dma semaphore(%arg26 : memref<!tpu.dma_semaphore, #tpu.memory_space<semaphore_mem>>) src(%dma_wait3A_87 : memref<128x16xf32, #tpu.memory_space<vmem>>) dst(%dma_wait3A_93 : memref<10112x16xf32, #tpu.memory_space<vmem_shared>>)
    %dma_wait3A_94 = arith.constant 7 : i32
    %dma_wait3A_95 = arith.constant 79 : i32
    %dma_wait3A_96 = arith.constant 0 : i32
    %dma_wait3A_97 = arith.constant 0 : i32
    %dma_wait3A_98 = tpu.memref_slice %arg8[%dma_wait3A_94, %dma_wait3A_96, %dma_wait3A_97] : memref<8x128x16xf32, #tpu.memory_space<vmem>> -> memref<1x128x16xf32, #tpu.memory_space<vmem>>
    %dma_wait3A_99 = tpu.memref_squeeze %dma_wait3A_98 : memref<1x128x16xf32, #tpu.memory_space<vmem>> -> memref<128x16xf32, #tpu.memory_space<vmem>>
    %dma_wait3A_100 = arith.constant 0 : i32
    %dma_wait3A_101 = tpu.memref_slice %arg7[%dma_wait3A_95, %dma_wait3A_100] : memref<80x128xi32, #tpu.memory_space<vmem>> -> memref<1x128xi32, #tpu.memory_space<vmem>>
    %dma_wait3A_102 = tpu.memref_squeeze %dma_wait3A_101 : memref<1x128xi32, #tpu.memory_space<vmem>> -> memref<128xi32, #tpu.memory_space<vmem>>
    %dma_wait3A_103 = arith.constant 0 : i32
    %dma_wait3A_104 = arith.constant 0 : i32
    %dma_wait3A_105 = tpu.memref_slice %arg10[%dma_wait3A_103, %dma_wait3A_104] : memref<10112x16xf32, #tpu.memory_space<vmem_shared>> -> memref<10112x16xf32, #tpu.memory_space<vmem_shared>>
    tpu.wait_indirect_dma semaphore(%arg27 : memref<!tpu.dma_semaphore, #tpu.memory_space<semaphore_mem>>) src(%dma_wait3A_99 : memref<128x16xf32, #tpu.memory_space<vmem>>) dst(%dma_wait3A_105 : memref<10112x16xf32, #tpu.memory_space<vmem_shared>>)
    %barrier3A_106 = arith.constant 0 : index
    tpu.barrier barrier_id(%barrier3A_106)
    "tpu.region"() ({
      %run_scoped3A = tpu.sem_alloc : memref<!tpu.dma_semaphore, #tpu.memory_space<semaphore_mem>>
      %dma_start3A_107 = arith.constant 0 : i32
      %dma_start3A_108 = tpu.memref_slice %arg5[%arg0, %mul3A_2, %dma_start3A_107] : memref<2x10112x16xf32, #tpu.memory_space<hbm>> -> memref<1x632x16xf32, #tpu.memory_space<hbm>>
      %dma_start3A_109 = tpu.memref_squeeze %dma_start3A_108 : memref<1x632x16xf32, #tpu.memory_space<hbm>> -> memref<632x16xf32, #tpu.memory_space<hbm>>
      %dma_start3A_110 = arith.constant 0 : i32
      %dma_start3A_111 = tpu.memref_slice %arg10[%mul3A_2, %dma_start3A_110] : memref<10112x16xf32, #tpu.memory_space<vmem_shared>> -> memref<632x16xf32, #tpu.memory_space<vmem_shared>>
      tpu.enqueue_dma source(%dma_start3A_111 : memref<632x16xf32, #tpu.memory_space<vmem_shared>>) target(%dma_start3A_109 : memref<632x16xf32, #tpu.memory_space<hbm>>) target_semaphore(%run_scoped3A : memref<!tpu.dma_semaphore, #tpu.memory_space<semaphore_mem>>)
      %dma_wait3A_112 = arith.constant 0 : i32
      %dma_wait3A_113 = tpu.memref_slice %arg5[%arg0, %mul3A_2, %dma_wait3A_112] : memref<2x10112x16xf32, #tpu.memory_space<hbm>> -> memref<1x632x16xf32, #tpu.memory_space<hbm>>
      %dma_wait3A_114 = tpu.memref_squeeze %dma_wait3A_113 : memref<1x632x16xf32, #tpu.memory_space<hbm>> -> memref<632x16xf32, #tpu.memory_space<hbm>>
      %dma_wait3A_115 = arith.constant 0 : i32
      %dma_wait3A_116 = tpu.memref_slice %arg10[%mul3A_2, %dma_wait3A_115] : memref<10112x16xf32, #tpu.memory_space<vmem_shared>> -> memref<632x16xf32, #tpu.memory_space<vmem_shared>>
      tpu.wait_dma2 semaphore(%run_scoped3A : memref<!tpu.dma_semaphore, #tpu.memory_space<semaphore_mem>>) src(%dma_wait3A_116 : memref<632x16xf32, #tpu.memory_space<vmem_shared>>) dst(%dma_wait3A_114 : memref<632x16xf32, #tpu.memory_space<hbm>>)
      tpu.yield
    }) : () -> ()
    return
  }
}

module attributes {stable_mosaic.version = 14 : i64} {
  func.func @_dense_body(%arg0: memref<10000x128xf32, #tpu.memory_space<vmem>>, %arg1: memref<16x16x128xf32, #tpu.memory_space<vmem>>, %arg2: memref<16x16x16xf32, #tpu.memory_space<vmem>>, %arg3: memref<16x8xf32, #tpu.memory_space<vmem>>, %arg4: memref<1x8xf32, #tpu.memory_space<vmem>>, %arg5: memref<10112x16xf32, #tpu.memory_space<vmem>>, %arg6: memref<10000x8xf32, #tpu.memory_space<vmem>>) attributes {dimension_semantics = [], scalar_prefetch = 0 : i64, scratch_operands = 0 : i64, tpu.core_type = #tpu.core_type<tc>} {
    %get3A = arith.constant 0 : index
    %get3A_0 = arith.constant 0 : index
    %get3A_1 = arith.constant 0 : index
    %get3A_2 = vector.load %arg1[%get3A, %get3A_0, %get3A_1] : memref<16x16x128xf32, #tpu.memory_space<vmem>>, vector<16x16x128xf32>
    %reshape3A = vector.shape_cast %get3A_2 : vector<16x16x128xf32> to vector<256x128xf32>
    %get3A_3 = arith.constant 0 : index
    %get3A_4 = arith.constant 0 : index
    %get3A_5 = vector.load %arg3[%get3A_3, %get3A_4] : memref<16x8xf32, #tpu.memory_space<vmem>>, vector<16x8xf32>
    %broadcast_in_dim3A = vector.shape_cast %get3A_5 : vector<16x8xf32> to vector<16x1x8xf32>
    %broadcast_in_dim3A_6 = vector.shape_cast %broadcast_in_dim3A : vector<16x1x8xf32> to vector<16x1x8xf32>
    %broadcast_in_dim3A_7 = vector.broadcast %broadcast_in_dim3A_6 : vector<16x1x8xf32> to vector<16x16x8xf32>
    %reshape3A_8 = vector.shape_cast %broadcast_in_dim3A_7 : vector<16x16x8xf32> to vector<256x8xf32>
    %mul3A = arith.constant 6.250000e-02 : f32
    %mul3A_9 = vector.broadcast %mul3A : f32 to vector<256x8xf32>
    %mul3A_10 = arith.mulf %reshape3A_8, %mul3A_9 : vector<256x8xf32>
    %dot_general3A = arith.constant dense<0.000000e+00> : vector<128x8xf32>
    %dot_general3A_11 = tpu.matmul %reshape3A, %mul3A_10, %dot_general3A {dimension_numbers = #tpu.dot_dimension_numbers<[0], [0], [1], [1], [0, 1, 1, 1], [], []>, transpose_lhs_hint = false} : vector<256x128xf32>, vector<256x8xf32>, vector<128x8xf32> -> vector<128x8xf32>
    %mul3A_12 = arith.mulf %reshape3A, %reshape3A : vector<256x128xf32>
    %reduce_sum3A = arith.constant dense<0.000000e+00> : vector<256xf32>
    %reduce_sum3A_13 = vector.multi_reduction <add>, %mul3A_12, %reduce_sum3A [1] : vector<256x128xf32> to vector<256xf32>
    %broadcast_in_dim3A_14 = vector.shape_cast %reduce_sum3A_13 : vector<256xf32> to vector<256x1xf32>
    %dot_general3A_15 = arith.constant dense<0.000000e+00> : vector<1x8xf32>
    %dot_general3A_16 = tpu.matmul %broadcast_in_dim3A_14, %mul3A_10, %dot_general3A_15 {dimension_numbers = #tpu.dot_dimension_numbers<[0], [0], [1], [1], [0, 1, 1, 1], [], []>, transpose_lhs_hint = false} : vector<256x1xf32>, vector<256x8xf32>, vector<1x8xf32> -> vector<1x8xf32>
    %reduce_sum3A_17 = arith.constant dense<0.000000e+00> : vector<8xf32>
    %reduce_sum3A_18 = vector.multi_reduction <add>, %get3A_5, %reduce_sum3A_17 [0] : vector<16x8xf32> to vector<8xf32>
    %broadcast_in_dim3A_19 = vector.shape_cast %reduce_sum3A_18 : vector<8xf32> to vector<1x8xf32>
    %get3A_20 = arith.constant 0 : index
    %get3A_21 = arith.constant 0 : index
    %get3A_22 = arith.constant 0 : index
    %get3A_23 = vector.load %arg2[%get3A_20, %get3A_21, %get3A_22] : memref<16x16x16xf32, #tpu.memory_space<vmem>>, vector<16x16x16xf32>
    %reshape3A_24 = vector.shape_cast %get3A_23 : vector<16x16x16xf32> to vector<16x256xf32>
    %reduce_sum3A_25 = arith.constant dense<0.000000e+00> : vector<16xf32>
    %reduce_sum3A_26 = vector.multi_reduction <add>, %reshape3A_24, %reduce_sum3A_25 [1] : vector<16x256xf32> to vector<16xf32>
    %broadcast_in_dim3A_27 = vector.shape_cast %reduce_sum3A_26 : vector<16xf32> to vector<16x1xf32>
    %div3A = arith.constant 2.560000e+02 : f32
    %div3A_28 = vector.broadcast %div3A : f32 to vector<16x1xf32>
    %div3A_29 = arith.divf %broadcast_in_dim3A_27, %div3A_28 : vector<16x1xf32>
    %mul3A_30 = vector.broadcast %div3A_29 : vector<16x1xf32> to vector<16x8xf32>
    %mul3A_31 = arith.mulf %mul3A_30, %get3A_5 : vector<16x8xf32>
    %reduce_sum3A_32 = arith.constant dense<0.000000e+00> : vector<8xf32>
    %reduce_sum3A_33 = vector.multi_reduction <add>, %mul3A_31, %reduce_sum3A_32 [0] : vector<16x8xf32> to vector<8xf32>
    %broadcast_in_dim3A_34 = vector.shape_cast %reduce_sum3A_33 : vector<8xf32> to vector<1x8xf32>
    %get3A_35 = arith.constant 0 : index
    %get3A_36 = arith.constant 0 : index
    %get3A_37 = vector.load %arg4[%get3A_35, %get3A_36] : memref<1x8xf32, #tpu.memory_space<vmem>>, vector<1x8xf32>
    %add3A = arith.addf %broadcast_in_dim3A_34, %get3A_37 : vector<1x8xf32>
    %get3A_38 = arith.constant 0 : index
    %get3A_39 = arith.constant 0 : index
    %get3A_40 = vector.load %arg0[%get3A_38, %get3A_39] : memref<10000x128xf32, #tpu.memory_space<vmem>>, vector<10000x128xf32>
    %mul3A_41 = arith.mulf %get3A_40, %get3A_40 : vector<10000x128xf32>
    %reduce_sum3A_42 = arith.constant dense<0.000000e+00> : vector<10000xf32>
    %reduce_sum3A_43 = vector.multi_reduction <add>, %mul3A_41, %reduce_sum3A_42 [1] : vector<10000x128xf32> to vector<10000xf32>
    %broadcast_in_dim3A_44 = vector.shape_cast %reduce_sum3A_43 : vector<10000xf32> to vector<10000x1xf32>
    %mul3A_45 = vector.broadcast %broadcast_in_dim3A_44 : vector<10000x1xf32> to vector<10000x8xf32>
    %mul3A_46 = vector.broadcast %broadcast_in_dim3A_19 : vector<1x8xf32> to vector<10000x8xf32>
    %mul3A_47 = arith.mulf %mul3A_45, %mul3A_46 : vector<10000x8xf32>
    %add3A_48 = vector.broadcast %dot_general3A_16 : vector<1x8xf32> to vector<10000x8xf32>
    %add3A_49 = arith.addf %mul3A_47, %add3A_48 : vector<10000x8xf32>
    %dot_general3A_50 = arith.constant dense<0.000000e+00> : vector<10000x8xf32>
    %dot_general3A_51 = tpu.matmul %get3A_40, %dot_general3A_11, %dot_general3A_50 {dimension_numbers = #tpu.dot_dimension_numbers<[1], [0], [0], [1], [0, 0, 1, 1], [], []>, transpose_lhs_hint = false} : vector<10000x128xf32>, vector<128x8xf32>, vector<10000x8xf32> -> vector<10000x8xf32>
    %mul3A_52 = arith.constant 2.000000e+00 : f32
    %mul3A_53 = vector.broadcast %mul3A_52 : f32 to vector<10000x8xf32>
    %mul3A_54 = arith.mulf %mul3A_53, %dot_general3A_51 : vector<10000x8xf32>
    %sub3A = arith.subf %add3A_49, %mul3A_54 : vector<10000x8xf32>
    %mul3A_55 = arith.constant 5.000000e-01 : f32
    %mul3A_56 = vector.broadcast %mul3A_55 : f32 to vector<10000x8xf32>
    %mul3A_57 = arith.mulf %mul3A_56, %sub3A : vector<10000x8xf32>
    %add3A_58 = vector.broadcast %add3A : vector<1x8xf32> to vector<10000x8xf32>
    %add3A_59 = arith.addf %mul3A_57, %add3A_58 : vector<10000x8xf32>
    %swap3A = arith.constant 0 : index
    %swap3A_60 = arith.constant 0 : index
    %swap3A_61 = vector.load %arg6[%swap3A, %swap3A_60] : memref<10000x8xf32, #tpu.memory_space<vmem>>, vector<10000x8xf32>
    tpu.vector_store %arg6[%swap3A, %swap3A_60], %add3A_59 {strides = array<i32>} : memref<10000x8xf32, #tpu.memory_space<vmem>>, vector<10000x8xf32>,
    %broadcast_in_dim3A_62 = arith.constant 1.000000e+00 : f32
    %broadcast_in_dim3A_63 = vector.broadcast %broadcast_in_dim3A_62 : f32 to vector<10000x1xf32>
    %broadcast_in_dim3A_64 = arith.constant 0.000000e+00 : f32
    %broadcast_in_dim3A_65 = vector.broadcast %broadcast_in_dim3A_64 : f32 to vector<10000x7xf32>
    %concatenate3A = tpu.concatenate %mul3A_57, %broadcast_in_dim3A_63, %broadcast_in_dim3A_65 in 1 : vector<10000x8xf32>, vector<10000x1xf32>, vector<10000x7xf32> -> vector<10000x16xf32>
    %broadcast_in_dim3A_66 = arith.constant 0.000000e+00 : f32
    %broadcast_in_dim3A_67 = vector.broadcast %broadcast_in_dim3A_66 : f32 to vector<112x16xf32>
    %concatenate3A_68 = tpu.concatenate %concatenate3A, %broadcast_in_dim3A_67 in 0 : vector<10000x16xf32>, vector<112x16xf32> -> vector<10112x16xf32>
    %swap3A_69 = arith.constant 0 : index
    %swap3A_70 = arith.constant 0 : index
    %swap3A_71 = vector.load %arg5[%swap3A_69, %swap3A_70] : memref<10112x16xf32, #tpu.memory_space<vmem>>, vector<10112x16xf32>
    tpu.vector_store %arg5[%swap3A_69, %swap3A_70], %concatenate3A_68 {strides = array<i32>} : memref<10112x16xf32, #tpu.memory_space<vmem>>, vector<10112x16xf32>,
    return
  }
}

module attributes {stable_mosaic.version = 14 : i64} {
  func.func @_combine_body(%arg0: memref<10000x8xf32, #tpu.memory_space<vmem>>, %arg1: memref<2x10112x16xf32, #tpu.memory_space<vmem>>, %arg2: memref<10000x8xf32, #tpu.memory_space<vmem>>) attributes {dimension_semantics = [], scalar_prefetch = 0 : i64, scratch_operands = 0 : i64, tpu.core_type = #tpu.core_type<tc>} {
    %get3A = arith.constant 0 : index
    %get3A_0 = arith.constant 0 : index
    %get3A_1 = arith.constant 0 : index
    %get3A_2 = vector.load %arg1[%get3A, %get3A_0, %get3A_1] : memref<2x10112x16xf32, #tpu.memory_space<vmem>>, vector<1x10112x16xf32>
    %get3A_3 = vector.shape_cast %get3A_2 : vector<1x10112x16xf32> to vector<10112x16xf32>
    %get3A_4 = arith.constant 1 : index
    %get3A_5 = arith.constant 0 : index
    %get3A_6 = arith.constant 0 : index
    %get3A_7 = vector.load %arg1[%get3A_4, %get3A_5, %get3A_6] : memref<2x10112x16xf32, #tpu.memory_space<vmem>>, vector<1x10112x16xf32>
    %get3A_8 = vector.shape_cast %get3A_7 : vector<1x10112x16xf32> to vector<10112x16xf32>
    %add3A = arith.addf %get3A_3, %get3A_8 : vector<10112x16xf32>
    %slice3A = vector.extract_strided_slice %add3A {offsets = [0, 0], sizes = [10000, 8], strides = [1, 1]} : vector<10112x16xf32> to vector<10000x8xf32>
    %slice3A_9 = vector.extract_strided_slice %add3A {offsets = [0, 8], sizes = [10000, 1], strides = [1, 1]} : vector<10112x16xf32> to vector<10000x1xf32>
    %get3A_10 = arith.constant 0 : index
    %get3A_11 = arith.constant 0 : index
    %get3A_12 = vector.load %arg0[%get3A_10, %get3A_11] : memref<10000x8xf32, #tpu.memory_space<vmem>>, vector<10000x8xf32>
    %max3A = arith.constant 1.000000e+00 : f32
    %max3A_13 = vector.broadcast %max3A : f32 to vector<10000x1xf32>
    %max3A_14 = arith.maximumf %slice3A_9, %max3A_13 : vector<10000x1xf32>
    %div3A = vector.broadcast %max3A_14 : vector<10000x1xf32> to vector<10000x8xf32>
    %div3A_15 = arith.divf %slice3A, %div3A : vector<10000x8xf32>
    %add3A_16 = arith.addf %get3A_12, %div3A_15 : vector<10000x8xf32>
    %swap3A = arith.constant 0 : index
    %swap3A_17 = arith.constant 0 : index
    %swap3A_18 = vector.load %arg2[%swap3A, %swap3A_17] : memref<10000x8xf32, #tpu.memory_space<vmem>>, vector<10000x8xf32>
    tpu.vector_store %arg2[%swap3A, %swap3A_17], %add3A_16 {strides = array<i32>} : memref<10000x8xf32, #tpu.memory_space<vmem>>, vector<10000x8xf32>,
    return
  }
}

</mosaic_0001>

<sc_bundles>
// kernel: kernel.5.cloned.1.call-start
scs
__scs_entry_jumppad:
0x0: {  	(pc) =	sbr.rel $0x88, $3  }
0x1: {  	(tag) =	ssettag $0x0;
	lr =	simm.s32 $0x1  }
0x2: {  	[smem:$0x3F9B] =	sst lr;
	_ =	strace $0xD0000000  }
0x3: {  	_ = 	snop  }
0x4: {  	_ = 	snop  }
0x5: {  	_ = 	snop  }
0x6: {  	_ = 	snop  }
0x7: {  	_ = 	snop  }
__scs_overlays_trampoline_lowered:
0x8: {  	[smem:$0x3FAA] =	sst s0  }
0x9: {  	[smem:$0x3FAB] =	sst s1  }
0xa: {  	[smem:$0x3FAC] =	sst s2  }
0xb: {  	[smem:$0x3FAD] =	sst s3  }
0xc: {  	[smem:$0x3FAE] =	sst s4  }
0xd: {  	[smem:$0x3FAF] =	sst s5  }
0xe: {  	[smem:$0x3FB0] =	sst s6  }
0xf: {  	[smem:$0x3FB1] =	sst s7  }
0x10: {  	[smem:$0x3FB2] =	sst s8  }
0x11: {  	[smem:$0x3FB3] =	sst s9;
	s0 =	simm.s32 @!p0 $0x0  }
0x12: {  	s1 =	sld [smem:$0x3F99];
	s0 =	simm.s32 @p0 $0x1  }
0x13: {  	[smem:$0x3FB4] =	sst s0;
	s0 =	simm.s32 @!p1 $0x0  }
0x14: {  	s2 =	sld [smem:$0x3F98];
	s0 =	simm.s32 @p1 $0x1  }
0x15: {  	[smem:$0x3FB5] =	sst s0;
	s0 =	simm.s32 @!p2 $0x0  }
0x16: {  	s3 =	sld [smem:$0x3FDB];
	s0 =	simm.s32 @p2 $0x1  }
0x17: {  	s4 =	simm.s32 $0x1BF5;
	[smem:$0x3FB7] =	sst s0  }
0x18: {  	s0 =	sld [smem:$0x3F9A];
	_ =	swait.ge [sflag:s4], $0x0  }
0x19: {  	s7 =	sld [smem:$0x3F9B]  }
0x1a: {  	s8 =	sadd.s32 $0xFFFFE003, lr  }
0x1b: {  	s9 =	sadd.s32 $0xFFFFFEF7, lr;
	s5 =	simm.s32 $0xFFFFFFFF;
	p2 =	slt.u32 s8, $0xFFFFF086  }
0x1c: {  	p1 =	slt.u32 s9, $0xF7A;
	s5 =	simm.s32 @!p2 $0x0  }
0x1d: {  	s5 =	simm.s32 @p1 $0x1;
	p0 =	seq.s32 s7, s2  }
0x1e: {  	s7 =	smul.u32 @!p0 $0xF7A, s2;
	p2 =	seq.s32 @!p0 s5, $0x0  }
0x1f: {  	s9 =	smul.u32 $0xF7A, s1;
	s8 =	simm.s32 @!p0 $0x1BF5;
	p2 =	por !p2, p0  }
0x20: {  	[sflag:s8] =	ssyncset.s32 @!p0 $0xFFFFF086;
	s6 =	sadd.s32 @!p0 s3, s7;
	s7 =	simm.s32 @!p0 $0x108  }
0x21: {  	s3 =	sadd.s32 s3, s9;
	s6 =	sadd.s32 @!p0 $0x88, s6;
	s7 =	simm.s32 @p2 $0x1082  }
0x22: {  	[simem:s7], [sflag:s8] =	dma.local @!p0 [hbm:s6], $0xF7A  }
0x23: {  	s9 =	sor.u32 $0xD0000000, s2;
	s6 =	simm.s32 $0x108;
	_ =	swait.ge @!p0 [sflag:s8], $0x0  }
0x24: {  	s3 =	sadd.s32 $0x88, s3;
	s6 =	simm.s32 @!p1 $0x1082;
	[sflag:s4] =	ssyncset.s32 $0xFFFFF086  }
0x25: {  	[simem:s6], [sflag:s4] =	dma.local [hbm:s3], $0xF7A  }
0x26: {  	[smem:$0x3F9B] =	sst s1;
	(tag) =	ssettag s2;
	_ =	strace s9  }
0x27: {  	s1 =	sld [smem:$0x3FAB]  }
0x28: {  	s2 =	sld [smem:$0x3FAC]  }
0x29: {  	s4 =	sld [smem:$0x3FAE]  }
0x2a: {  	p0 =	seq.s32 s5, $0x0;
	s5 =	sld [smem:$0x3FAF]  }
0x2b: {  	s6 =	sld [smem:$0x3FB0]  }
0x2c: {  	s7 =	sld [smem:$0x3FB1]  }
0x2d: {  	s3 =	simm.s32 $0x108;
	s8 =	sld [smem:$0x3FB2]  }
0x2e: {  	s3 =	simm.s32 @!p0 $0x1082;
	s9 =	sld [smem:$0x3FB3]  }
0x2f: {  	lr =	sadd.s32 s0, s3;
	s0 =	sld [smem:$0x3FAA]  }
0x30: {  	s3 =	sld [smem:$0x3FAD]  }
0x31: {  	[smem:$0x3FB6] =	sst s10  }
0x32: {  	s10 =	sld [smem:$0x3FB4];
	_ =	sdelay $0x3  }
0x33: {  	p0 =	seq.s32 s10, $0x1;
	s10 =	sld [smem:$0x3FB6];
	_ =	sdelay $0x3  }
0x34: {  	[smem:$0x3FB6] =	sst s10  }
0x35: {  	s10 =	sld [smem:$0x3FB5];
	_ =	sdelay $0x3  }
0x36: {  	p1 =	seq.s32 s10, $0x1;
	s10 =	sld [smem:$0x3FB6];
	_ =	sdelay $0x3  }
0x37: {  	[smem:$0x3FB6] =	sst s10  }
0x38: {  	s10 =	sld [smem:$0x3FB7]  }
0x39: {  	_ = 	snop;
	(pc) =	sbr.ind lr, $3  }
0x3a: {  	_ = 	snop  }
0x3b: {  	_ = 	snop  }
0x3c: {  	p2 =	seq.s32 s10, $0x1;
	s10 =	sld [smem:$0x3FB6]  }
0x3d: {  	_ =	shalt  }
0x3e: {  	_ =	shalt  }
0x3f: {  	_ =	shalt  }
0x40: {  	_ =	shalt  }
0x41: {  	_ =	shalt  }
0x42: {  	_ =	shalt  }
0x43: {  	_ =	shalt  }
0x44: {  	_ =	shalt  }
0x45: {  	_ =	shalt  }
0x46: {  	_ =	shalt  }
0x47: {  	_ =	shalt  }
0x48: {  	_ =	shalt  }
0x49: {  	_ =	shalt  }
0x4a: {  	_ =	shalt  }
0x4b: {  	_ =	shalt  }
0x4c: {  	_ =	shalt  }
0x4d: {  	_ =	shalt  }
0x4e: {  	_ =	shalt  }
0x4f: {  	_ =	shalt  }
0x50: {  	_ =	shalt  }
0x51: {  	_ =	shalt  }
0x52: {  	_ =	shalt  }
0x53: {  	_ =	shalt  }
0x54: {  	_ =	shalt  }
0x55: {  	_ =	shalt  }
0x56: {  	_ =	shalt  }
0x57: {  	_ =	shalt  }
0x58: {  	_ =	shalt  }
0x59: {  	_ =	shalt  }
0x5a: {  	_ =	shalt  }
0x5b: {  	_ =	shalt  }
0x5c: {  	_ =	shalt  }
0x5d: {  	_ =	shalt  }
0x5e: {  	_ =	shalt  }
0x5f: {  	_ =	shalt  }
0x60: {  	_ =	shalt  }
0x61: {  	_ =	shalt  }
0x62: {  	_ =	shalt  }
0x63: {  	_ =	shalt  }
0x64: {  	_ =	shalt  }
0x65: {  	_ =	shalt  }
0x66: {  	_ =	shalt  }
0x67: {  	_ =	shalt  }
0x68: {  	_ =	shalt  }
0x69: {  	_ =	shalt  }
0x6a: {  	_ =	shalt  }
0x6b: {  	_ =	shalt  }
0x6c: {  	_ =	shalt  }
0x6d: {  	_ =	shalt  }
0x6e: {  	_ =	shalt  }
0x6f: {  	_ =	shalt  }
0x70: {  	_ =	shalt  }
0x71: {  	_ =	shalt  }
0x72: {  	_ =	shalt  }
0x73: {  	_ =	shalt  }
0x74: {  	_ =	shalt  }
0x75: {  	_ =	shalt  }
0x76: {  	_ =	shalt  }
0x77: {  	_ =	shalt  }
0x78: {  	_ =	shalt  }
0x79: {  	_ =	shalt  }
0x7a: {  	_ =	shalt  }
0x7b: {  	_ =	shalt  }
0x7c: {  	_ =	shalt  }
0x7d: {  	_ =	shalt  }
0x7e: {  	_ =	shalt  }
0x7f: {  	_ =	shalt  }
0x80: {  	_ =	shalt  }
0x81: {  	_ =	shalt  }
0x82: {  	_ =	shalt  }
0x83: {  	_ =	shalt  }
0x84: {  	_ =	shalt  }
0x85: {  	_ =	shalt  }
0x86: {  	_ =	shalt  }
0x87: {  	_ =	shalt  }
.Lfunc_end0:
.L_simem_size_0:
called_computation_lowered:
.L_overlay_start_0:
0x88: {  	s2 =	sld [smem:$0x3FD9]  }
0x89: {  	s3 =	sld [smem:$0x3FFE];
	_ =	sdelay $0x1  }
0x8a: {  	s1 =	srdreg.scid  }
0x8b: {  	s0 =	sand.u32 $0x1, s1  }
0x8c: {  	s16 =	sshll.u32 s0, $0xA;
	s2 =	sadd.s32 s3, s2  }
0x8d: {  	s2 =	sadd.s32 s2, s16  }
0x8e: {  	[smem:$0x3FC2] =	sst s2  }
0x8f: {  	_ = 	snop  }
0x90: {  	(tm) =	ssettm $0x1  }
0x91: {  	s17 =	sld [smem:$0x3FFB];
	_ =	sdelay $0x3  }
0x92: {  	_ =	strace s17  }
0x93: {  	s2 =	sld [smem:$0x3FFC];
	_ =	sdelay $0x3  }
0x94: {  	_ =	strace s2  }
0x95: {  	s2 =	sld [smem:$0x3FFD];
	_ =	sdelay $0x3  }
0x96: {  	_ =	strace s2  }
0x97: {  	_ =	strace $0x8FFFFFFF  }
0x98: {  	s18 =	sld [smem:$0x3FDB];
	_ =	sdelay $0x1  }
0x99: {  	s19 =	simm.s32 $_scs_section_size  }
0x9a: {  	s4 =	simm.s32 $_size__tile_overlayer_lowered;
	s5 =	simm.s32 $_tile_overlayer_lowered  }
0x9b: {  	s22 =	simm.s32 $0x1BFF;
	s21 =	sshll.u32 s5, $0x1;
	s2 =	sadd.s32 s19, s18  }
0x9c: {  	s6 =	simm.s32 $0x0;
	s20 =	sshll.u32 s4, $0x1;
	s4 =	sadd.s32 s21, s2  }
0x9d: {  	[timem:s6], [sflag:s22] =	dma.local [hbm:s4], s20  }
0x9e: {  	_ =	swait.ge [sflag:s22], s20  }
0x9f: {  	s3 =	ssub.s32 $0x0, s20;
	[sflag:s22] =	ssyncset.done $0x0  }
0xa0: {  	[sflag:s22] =	ssyncadd.s32 s3;
	_ =	sdelay $0x1  }
0xa1: {  	s23 =	simm.s32 $0x1B8B  }
0xa2: {  	_ =	swait.ge [sflag:s23], $0x1  }
0xa3: {  	[sflag:s23] =	ssyncset.done $0x0  }
0xa4: {  	s25 =	simm.s32 $0x1B8E;
	s24 =	sld [smem:$0x3FFE];
	[sflag:s23] =	ssyncadd.s32 $0xFFFFFFFF  }
0xa5: {  	s26 =	simm.s32 $execute0_lowered;
	[smem:$0x3FD2] =	sst s25  }
0xa6: {  	s4 =	sshll.u32 s26, $0x1;
	_ =	strace $0x80000046;
	[dreg:$0x1] =	wrdreg $0xFFFFFFFF  }
0xa7: {  	s28 =	simm.s32 $_size_execute0_lowered;
	s2 =	sadd.s32 s2, s4;
	[dreg:$0x0] =	wrdreg $0x0  }
0xa8: {  	s4 =	sshll.u32 s28, $0x1;
	[dreg:$0x2] =	wrdreg s2  }
0xa9: {  	[dreg:$0x3] =	wrdreg s4  }
0xaa: {  	[dreg:$0x4] =	wrdreg $0xC0  }
0xab: {  	_ =	task [dreg:s6], $0x5FFFF  }
0xac: {  	[dreg:$0x1] =	wrdreg $0xFFFFFFFF  }
0xad: {  	[dreg:$0x0] =	wrdreg $0x60  }
0xae: {  	[dreg:$0x2] =	wrdreg s24  }
0xaf: {  	[dreg:$0x3] =	wrdreg $0xDF000  }
0xb0: {  	[dreg:$0x4] =	wrdreg $0xB7800  }
0xb1: {  	[dreg:$0x5] =	wrdreg $0x9  }
0xb2: {  	_ =	task.clear_ibuf [dreg:s6], $0x6FFFF;
	_ =	strace $0x90000046  }
0xb3: {  	s29 =	simm.s32 $0x9;
	_ =	strace $0x80000048  }
0xb4: {  	_ =	swait.ge [sflag:s29], $0x1  }
0xb5: {  	[sflag:s29] =	ssyncadd.s32 $0xFFFFFFFF  }
0xb6: {  	_ =	strace $0x90000048  }
0xb7: {  	_ =	sfence  }
0xb8: {  	s30 =	sld [smem:$0x0];
	_ =	sdelay $0x2  }
0xb9: {  	s31 =	sshll.u32 s1, $0xD;
	s1 =	sshrl.u32 s1, $0x2  }
0xba: {  	s3 =	sand.u32 $0x4000, s31;
	s1 =	sadd.s32 s1, s30  }
0xbb: {  	s0 =	sor.u32 s3, s0;
	s1 =	sshll.u32 s1, $0x11  }
0xbc: {  	s0 =	sor.u32 s1, s0  }
0xbd: {  	s0 =	sadd.s32 $0x8F2B, s0  }
0xbe: {  	[sflag:s0] =	ssyncadd.remote.s32 $0x1  }
0xbf: {  	_ =	sfence.sel $0xFFFF  }
0xc0: {  	[dreg:$0x0] =	wrdreg $0xFFFFFFFF;
	(pc) =	sbr.abs _section_cstart, $3  }
0xc1: {  	[dreg:$0x1] =	wrdreg $0xFFFFFFFF  }
0xc2: {  	_ =	task.clear_ibuf [dreg:s6], $0x2FFFF;
	_ =	strace $0x9FFFFFFF  }
0xc3: {  	(tm) =	ssettm $0x7FFFFFFF  }
tec
execute0_lowered:
.L_overlay_start_1:
0x0: {  	(tag) =	ssettag $0x1  }
0x1: {  	s0 =	srdreg.scid;
	s4 =	rddreg [dreg:$0x0]  }
0x2: {  	s8 =	stileid.u32;
	s2 =	rddreg [dreg:$0x1]  }
0x3: {  	s3 =	rddreg [dreg:$0x2];
	s7 =	simm.s32 $0x0;
	s11 =	simm.s32 $0x11  }
0x4: {  	s16 =	simm.s32 $0x80;
	s17 =	simm.s32 $0x5000;
	s18 =	simm.s32 $0x5800  }
0x5: {  	s26 =	simm.s32 $0x8000;
	s28 =	simm.s32 $0x5;
	s29 =	simm.s32 $0x8800  }
0x6: {  	s30 =	simm.s32 $0x6;
	s31 =	simm.s32 $0x9;
	s0 =	sand.u32 $0x1, s0  }
0x7: {  	s1 =	sshll.u32 s8, $0x1;
	s5 =	smul.u32 $0x2780, s8;
	[smem:$0x7FF] =	sst s7  }
0x8: {  	s24 =	sshll.u32 s8, $0x6;
	s1 =	sor.u32 s0, s1;
	s6 =	smul.u32 $0x27800, s0  }
0x9: {  	_ =	strace $0x80000047;
	s0 =	ssub.s32 $0x2, s0;
	[dreg:$0x4] =	wrdreg s26  }
0xa: {  	s26 =	simm.s32 $0x4;
	s1 =	smul.u32 $0x500, s1;
	s19 =	sshrl.u32 s5, $0x3  }
0xb: {  	s20 =	sshrl.u32 s0, $0x1;
	s22 =	sadd.s32 s5, s2;
	s6 =	sadd.s32 s5, s6  }
0xc: {  	s7 =	sadd.s32 s19, s4;
	s0 =	ssub.s32 s0, s20;
	s5 =	sadd.s32 s5, s3  }
0xd: {  	s25 =	sshrl.u32 s22, $0x3;
	s19 =	simm.s32 $0x6000;
	s20 =	simm.s32 $0x1  }
0xe: {  	s22 =	simm.s32 $0x2;
	s1 =	sadd.s32 s1, s4;
	[dreg:$0xc] =	wrdreg s25  }
0xf: {  	s6 =	sshrl.u32 s6, $0x3;
	s23 =	sadd.s32 $0x14600, s7;
	[dreg:$0x8] =	wrdreg s5  }
0x10: {  	s0 =	smax.u32 s0, $0x1;
	s7 =	sor.u32 $0x1C11, s24;
	[dreg:$0x7] =	wrdreg s23  }
0x11: {  	s24 =	simm.s32 $0x3;
	s25 =	simm.s32 $0x7800;
	[dreg:$0xa] =	wrdreg s0  }
0x12: {  	s4 =	sadd.s32 s6, s4;
	s21 =	sadd.s32 $0xA600, s1;
	[dreg:$0xb] =	wrdreg s7  }
0x13: {  	s1 =	sadd.s32 $0x600, s1;
	s23 =	simm.s32 $0x7000;
	[dreg:$0x5] =	wrdreg s21  }
0x14: {  	[dreg:$0x6] =	wrdreg s1;
	s4 =	sadd.s32 $0x19600, s4;
	s21 =	simm.s32 $0x6800  }
0x15: {  	v0 =	vimm.f32 $0.0e+00;
	s1 =	simm.s32 $0x8;
	[dreg:$0x9] =	wrdreg s4;
	s4 =	simm.s32 $0x0  }
.LBB2_1:
0x16: {  	[dreg:$0xd] =	wrdreg s4  }
0x17: {  	s0 =	simm.s32 $0x0;
	s12 =	rddreg [dreg:$0x5]  }
0x18: {  	[tilespmem:s0], [sflag:$0x11] =	stream.linear.gather [hbm4b:s12+s0], $0x2800, $0x38;
	[tilespmem:$0x10680] =	vst v63  }
0x19: {  	_ =	swait.ge [sflag:s11], $0x2800  }
0x1a: {  	[sflag:s11] =	ssyncset.done $0x0  }
0x1b: {  	s6 =	simm.s32 $0x2800;
	s13 =	rddreg [dreg:$0x6];
	[sflag:s11] =	ssyncadd.s32 $0xFFFFD800  }
0x1c: {  	[tilespmem:s6], [sflag:$0x11] =	stream.linear.gather [hbm4b:s13+s0], $0x2800, $0x38;
	[tilespmem:$0x10680] =	vst v63  }
0x1d: {  	_ =	swait.ge [sflag:s11], $0x2800  }
0x1e: {  	[sflag:s11] =	ssyncset.done $0x0;
	s14 =	rddreg [dreg:$0x7]  }
0x1f: {  	s15 =	rddreg [dreg:$0xc];
	[sflag:s11] =	ssyncadd.s32 $0xFFFFD800  }
0x20: {  	[spmem:s15], [sflag:s7] =	dma.local [hbm:s14], $0x4F0  }
0x21: {  	_ =	swait.ge [sflag:s11], $0x4F0  }
0x22: {  	[sflag:s11] =	ssyncset.done $0x0  }
0x23: {  	s9 =	simm.s32 $0x0;
	s0 =	simm.s32 $0x40;
	[sflag:s11] =	ssyncadd.s32 $0xFFFFFB10  }
.LBB2_2:
0x24: {  	p0 =	sne.s32 s0, $0x9DC0;
	[tilespmem:s9+$0x9000] =	vst v0;
	s9 =	smov.u32 s0;
	s0 =	sadd.s32 $0x40, s0  }
.Ltmp0:
0x25: {  	(pc) =	sbr.rel @p0 .LBB2_2-.Ltmp0, $2  }
0x26: {  	_ =	sdelay $0x2  }
0x27: {  	s9 =	sshra.s32 s9, $0x2  }
0x28: {  	[tilespmem:s9+$0x9000] =	vst v0;
	s0 =	simm.s32 $0x9000  }
0x29: {  	[spmem:s5] =	stream.linear.scatter [tilespmem:s0], [sflag:$0x11], $0x2780, $0x38;
	[tilespmem:$0x10680] =	vst v63  }
0x2a: {  	_ =	swait.ge [sflag:s11], $0x2780  }
0x2b: {  	[sflag:s11] =	ssyncset.done $0x0  }
0x2c: {  	[sflag:s11] =	ssyncadd.s32 $0xFFFFD880  }
0x2d: {  	s12 =	simm.s32 $0x0;
	p0 =	por $0x1, $0x1;
	[bflag:$0x0] =	sbarrier.arrive $0xFFFF  }
0x2e: {  	[tilespmem:s17], [sflag:$0x1] =	stream.indirect.gather [spmem:s2], $0x10, s12, s16, $0xb8;
	[tilespmem:$0x10680] =	vst v63  }
0x2f: {  	s0 =	simm.s32 @!p0 $0xB  }
0x30: {  	[tilespmem:s18], [sflag:$0x2] =	stream.indirect.gather [spmem:s2], $0x10, s16, s16, $0xb8;
	[tilespmem:$0x10680] =	vst v63  }
0x31: {  	_ =	swait.ge @!p0 [sflag:s0], $0x800  }
0x32: {  	[sflag:s0] =	ssyncset.done @!p0 $0x0  }
0x33: {  	s13 =	simm.s32 $0x100;
	[sflag:s0] =	ssyncadd.s32 @!p0 $0xFFFFF800  }
0x34: {  	[tilespmem:s19], [sflag:$0x3] =	stream.indirect.gather [spmem:s2], $0x10, s13, s16, $0xb8;
	[tilespmem:$0x10680] =	vst v63  }
0x35: {  	_ =	swait.ge [sflag:s20], $0x800  }
0x36: {  	[sflag:s20] =	ssyncset.done $0x0  }
0x37: {  	s14 =	simm.s32 $0x2800;
	s9 =	simm.s32 @!p0 $0xC;
	[sflag:s20] =	ssyncadd.s32 $0xFFFFF800  }
0x38: {  	[spmem:s3] =	stream.indirect.scatter.add.f32 [tilespmem:s17], [sflag:$0x9], $0x10, s14, s16, $0xb8;
	[tilespmem:$0x10680] =	vst v63  }
0x39: {  	_ =	swait.ge @!p0 [sflag:s9], $0x800  }
0x3a: {  	[sflag:s9] =	ssyncset.done @!p0 $0x0  }
0x3b: {  	s15 =	simm.s32 $0x180;
	[sflag:s9] =	ssyncadd.s32 @!p0 $0xFFFFF800  }
0x3c: {  	[tilespmem:s21], [sflag:$0x4] =	stream.indirect.gather [spmem:s2], $0x10, s15, s16, $0xb8;
	[tilespmem:$0x10680] =	vst v63  }
0x3d: {  	_ =	swait.ge [sflag:s22], $0x800  }
0x3e: {  	p1 =	por $0x1, $0x1;
	[sflag:s22] =	ssyncset.done $0x0  }
0x3f: {  	s4 =	simm.s32 $0x2880;
	s9 =	simm.s32 @!p1 $0xD;
	[sflag:s22] =	ssyncadd.s32 $0xFFFFF800  }
0x40: {  	[spmem:s3] =	stream.indirect.scatter.add.f32 [tilespmem:s18], [sflag:$0xA], $0x10, s4, s16, $0xb8;
	[tilespmem:$0x10680] =	vst v63  }
0x41: {  	_ =	swait.ge @!p1 [sflag:s9], $0x800  }
0x42: {  	[sflag:s9] =	ssyncset.done @!p1 $0x0  }
0x43: {  	s5 =	simm.s32 $0x200;
	[sflag:s9] =	ssyncadd.s32 @!p1 $0xFFFFF800  }
0x44: {  	[tilespmem:s23], [sflag:$0x5] =	stream.indirect.gather [spmem:s2], $0x10, s5, s16, $0xb8;
	[tilespmem:$0x10680] =	vst v63  }
0x45: {  	_ =	swait.ge [sflag:s24], $0x800  }
0x46: {  	p1 =	por $0x1, $0x1;
	[sflag:s24] =	ssyncset.done $0x0  }
0x47: {  	s6 =	simm.s32 $0x2900;
	s9 =	simm.s32 @!p1 $0xE;
	[sflag:s24] =	ssyncadd.s32 $0xFFFFF800  }
0x48: {  	[spmem:s3] =	stream.indirect.scatter.add.f32 [tilespmem:s19], [sflag:$0xB], $0x10, s6, s16, $0xb8;
	[tilespmem:$0x10680] =	vst v63  }
0x49: {  	_ =	swait.ge @!p1 [sflag:s9], $0x800  }
0x4a: {  	[sflag:s9] =	ssyncset.done @!p1 $0x0  }
0x4b: {  	s7 =	simm.s32 $0x280;
	[sflag:s9] =	ssyncadd.s32 @!p1 $0xFFFFF800  }
0x4c: {  	[tilespmem:s25], [sflag:$0x6] =	stream.indirect.gather [spmem:s2], $0x10, s7, s16, $0xb8;
	[tilespmem:$0x10680] =	vst v63  }
0x4d: {  	_ =	swait.ge [sflag:s26], $0x800  }
0x4e: {  	p1 =	por $0x1, $0x1;
	[sflag:s26] =	ssyncset.done $0x0  }
0x4f: {  	s8 =	simm.s32 $0x2980;
	s9 =	simm.s32 @!p1 $0xF;
	[sflag:s26] =	ssyncadd.s32 $0xFFFFF800  }
0x50: {  	[spmem:s3] =	stream.indirect.scatter.add.f32 [tilespmem:s21], [sflag:$0xC], $0x10, s8, s16, $0xb8;
	[tilespmem:$0x10680] =	vst v63  }
0x51: {  	_ =	swait.ge @!p1 [sflag:s9], $0x800  }
0x52: {  	[sflag:s9] =	ssyncset.done @!p1 $0x0  }
0x53: {  	s12 =	simm.s32 $0x300;
	s10 =	rddreg [dreg:$0x4];
	[sflag:s9] =	ssyncadd.s32 @!p1 $0xFFFFF800  }
0x54: {  	[tilespmem:s10], [sflag:$0x7] =	stream.indirect.gather [spmem:s2], $0x10, s12, s16, $0xb8;
	[tilespmem:$0x10680] =	vst v63  }
0x55: {  	_ =	swait.ge [sflag:s28], $0x800  }
0x56: {  	[sflag:s28] =	ssyncset.done $0x0  }
0x57: {  	s13 =	simm.s32 $0x2A00;
	s9 =	simm.s32 @!p0 $0x10;
	[sflag:s28] =	ssyncadd.s32 $0xFFFFF800  }
0x58: {  	[spmem:s3] =	stream.indirect.scatter.add.f32 [tilespmem:s23], [sflag:$0xD], $0x10, s13, s16, $0xb8;
	[tilespmem:$0x10680] =	vst v63  }
0x59: {  	_ =	swait.ge @!p0 [sflag:s9], $0x800  }
0x5a: {  	[sflag:s9] =	ssyncset.done @!p0 $0x0  }
0x5b: {  	s14 =	simm.s32 $0x380;
	[sflag:s9] =	ssyncadd.s32 @!p0 $0xFFFFF800  }
0x5c: {  	[tilespmem:s29], [sflag:$0x8] =	stream.indirect.gather [spmem:s2], $0x10, s14, s16, $0xb8;
	[tilespmem:$0x10680] =	vst v63  }
0x5d: {  	_ =	swait.ge [sflag:s30], $0x800  }
0x5e: {  	[sflag:s30] =	ssyncset.done $0x0  }
0x5f: {  	s15 =	simm.s32 $0x2A80;
	[sflag:s30] =	ssyncadd.s32 $0xFFFFF800  }
0x60: {  	[spmem:s3] =	stream.indirect.scatter.add.f32 [tilespmem:s25], [sflag:$0xE], $0x10, s15, s16, $0xb8;
	[tilespmem:$0x10680] =	vst v63  }
0x61: {  	_ =	swait.ge [sflag:s31], $0x800  }
0x62: {  	p0 =	por $0x0, $0x0;
	[sflag:s31] =	ssyncset.done $0x0  }
0x63: {  	s0 =	simm.s32 @p0 $0x7;
	[sflag:s31] =	ssyncadd.s32 $0xFFFFF800  }
0x64: {  	_ =	swait.ge @p0 [sflag:s0], $0x800  }
0x65: {  	s9 =	simm.s32 @p0 $0x2B00;
	s10 =	simm.s32 @p0 $0x80;
	[sflag:s0] =	ssyncset.done @p0 $0x0  }
0x66: {  	s12 =	simm.s32 @p0 $0x8000;
	[sflag:s0] =	ssyncadd.s32 @p0 $0xFFFFF800;
	s0 =	simm.s32 @p0 $0xA  }
0x67: {  	[spmem:s3] =	stream.indirect.scatter.add.f32 @p0 [tilespmem:s12], [sflag:$0xF], $0x10, s9, s10, $0xb8;
	[tilespmem:$0x10680] =	vst v63  }
0x68: {  	_ =	swait.ge @p0 [sflag:s0], $0x800  }
0x69: {  	s9 =	simm.s32 @!p0 $0x400;
	s10 =	simm.s32 @!p0 $0x80;
	[sflag:s0] =	ssyncset.done @p0 $0x0  }
0x6a: {  	s12 =	simm.s32 @!p0 $0x5000;
	[sflag:s0] =	ssyncadd.s32 @p0 $0xFFFFF800;
	s0 =	simm.s32 @!p0 $0x7  }
0x6b: {  	[tilespmem:s12], [sflag:$0x1] =	stream.indirect.gather @!p0 [spmem:s2], $0x10, s9, s10, $0xb8;
	[tilespmem:$0x10680] =	vst v63  }
0x6c: {  	_ =	swait.ge @!p0 [sflag:s0], $0x800  }
0x6d: {  	s9 =	simm.s32 @!p0 $0x2B00;
	[sflag:s0] =	ssyncset.done @!p0 $0x0  }
0x6e: {  	s12 =	simm.s32 @!p0 $0x8000;
	[sflag:s0] =	ssyncadd.s32 @!p0 $0xFFFFF800;
	s0 =	simm.s32 @!p0 $0xA  }
0x6f: {  	[spmem:s3] =	stream.indirect.scatter.add.f32 @!p0 [tilespmem:s12], [sflag:$0xF], $0x10, s9, s10, $0xb8;
	[tilespmem:$0x10680] =	vst v63  }
0x70: {  	_ =	swait.ge @!p0 [sflag:s0], $0x800  }
0x71: {  	[sflag:s0] =	ssyncset.done @!p0 $0x0  }
0x72: {  	s9 =	simm.s32 @!p0 $0x480;
	s12 =	simm.s32 @!p0 $0x5800;
	[sflag:s0] =	ssyncadd.s32 @!p0 $0xFFFFF800  }
0x73: {  	[tilespmem:s12], [sflag:$0x2] =	stream.indirect.gather @!p0 [spmem:s2], $0x10, s9, s10, $0xb8;
	[tilespmem:$0x10680] =	vst v63  }
0x74: {  	s14 =	simm.s32 $0x2000;
	s0 =	simm.s32 $0x2B80;
	s9 =	simm.s32 $0x1000  }
0x75: {  	p0 =	por $0x0, $0x0;
	s10 =	simm.s32 $0xC;
	_ =	swait.ge [sflag:s1], $0x800  }
.LBB2_4:
0x76: {  	[sflag:s1] =	ssyncset.done $0x0  }
0x77: {  	s4 =	simm.s32 @!p0 $0xB;
	[sflag:s1] =	ssyncadd.s32 $0xFFFFF800  }
0x78: {  	[spmem:s3] =	stream.indirect.scatter.add.f32 [tilespmem:s29], [sflag:$0x10], $0x10, s0, s16, $0xb8;
	[tilespmem:$0x10680] =	vst v63  }
0x79: {  	_ =	swait.ge @!p0 [sflag:s4], $0x800  }
0x7a: {  	s15 =	sshra.s32 s9, $0x2;
	[sflag:s4] =	ssyncset.done @!p0 $0x0  }
0x7b: {  	s5 =	sadd.s32 $0x100, s15;
	[sflag:s4] =	ssyncadd.s32 @!p0 $0xFFFFF800  }
0x7c: {  	[tilespmem:s19], [sflag:$0x3] =	stream.indirect.gather [spmem:s2], $0x10, s5, s16, $0xb8;
	[tilespmem:$0x10680] =	vst v63  }
0x7d: {  	_ =	swait.ge [sflag:s20], $0x800  }
0x7e: {  	[sflag:s20] =	ssyncset.done $0x0  }
0x7f: {  	s13 =	sadd.s32 $0x2800, s15;
	s5 =	simm.s32 @!p0 $0xC;
	[sflag:s20] =	ssyncadd.s32 $0xFFFFF800  }
0x80: {  	[spmem:s3] =	stream.indirect.scatter.add.f32 [tilespmem:s17], [sflag:$0x9], $0x10, s13, s16, $0xb8;
	[tilespmem:$0x10680] =	vst v63  }
0x81: {  	_ =	swait.ge @!p0 [sflag:s5], $0x800  }
0x82: {  	[sflag:s5] =	ssyncset.done @!p0 $0x0  }
0x83: {  	s6 =	sadd.s32 $0x180, s15;
	[sflag:s5] =	ssyncadd.s32 @!p0 $0xFFFFF800  }
0x84: {  	[tilespmem:s21], [sflag:$0x4] =	stream.indirect.gather [spmem:s2], $0x10, s6, s16, $0xb8;
	[tilespmem:$0x10680] =	vst v63  }
0x85: {  	s7 =	sadd.s32 $0xFFFFFFFE, s10;
	_ =	swait.ge [sflag:s22], $0x800  }
0x86: {  	p2 =	slt.u32 s7, $0x6;
	[sflag:s22] =	ssyncset.done $0x0  }
0x87: {  	s8 =	sadd.s32 $0x2880, s15;
	s4 =	simm.s32 @!p2 $0xD;
	[sflag:s22] =	ssyncadd.s32 $0xFFFFF800  }
0x88: {  	[spmem:s3] =	stream.indirect.scatter.add.f32 [tilespmem:s18], [sflag:$0xA], $0x10, s8, s16, $0xb8;
	[tilespmem:$0x10680] =	vst v63  }
0x89: {  	_ =	swait.ge @!p2 [sflag:s4], $0x800  }
0x8a: {  	[sflag:s4] =	ssyncset.done @!p2 $0x0  }
0x8b: {  	s13 =	sadd.s32 $0x200, s15;
	[sflag:s4] =	ssyncadd.s32 @!p2 $0xFFFFF800  }
0x8c: {  	[tilespmem:s23], [sflag:$0x5] =	stream.indirect.gather [spmem:s2], $0x10, s13, s16, $0xb8;
	[tilespmem:$0x10680] =	vst v63  }
0x8d: {  	s6 =	sadd.s32 $0xFFFFFFFF, s10;
	_ =	swait.ge [sflag:s24], $0x800  }
0x8e: {  	p2 =	slt.u32 s6, $0x6;
	[sflag:s24] =	ssyncset.done $0x0  }
0x8f: {  	s7 =	sadd.s32 $0x2900, s15;
	s4 =	simm.s32 @!p2 $0xE;
	[sflag:s24] =	ssyncadd.s32 $0xFFFFF800  }
0x90: {  	[spmem:s3] =	stream.indirect.scatter.add.f32 [tilespmem:s19], [sflag:$0xB], $0x10, s7, s16, $0xb8;
	[tilespmem:$0x10680] =	vst v63  }
0x91: {  	_ =	swait.ge @!p2 [sflag:s4], $0x800  }
0x92: {  	[sflag:s4] =	ssyncset.done @!p2 $0x0  }
0x93: {  	s8 =	sadd.s32 $0x280, s15;
	[sflag:s4] =	ssyncadd.s32 @!p2 $0xFFFFF800  }
0x94: {  	[tilespmem:s25], [sflag:$0x6] =	stream.indirect.gather [spmem:s2], $0x10, s8, s16, $0xb8;
	[tilespmem:$0x10680] =	vst v63  }
0x95: {  	_ =	swait.ge [sflag:s26], $0x800  }
0x96: {  	p2 =	slt.u32 s10, $0x6;
	[sflag:s26] =	ssyncset.done $0x0  }
0x97: {  	s13 =	sadd.s32 $0x2980, s15;
	s5 =	simm.s32 @!p2 $0xF;
	[sflag:s26] =	ssyncadd.s32 $0xFFFFF800  }
0x98: {  	[spmem:s3] =	stream.indirect.scatter.add.f32 [tilespmem:s21], [sflag:$0xC], $0x10, s13, s16, $0xb8;
	[tilespmem:$0x10680] =	vst v63  }
0x99: {  	_ =	swait.ge @!p2 [sflag:s5], $0x800  }
0x9a: {  	[sflag:s5] =	ssyncset.done @!p2 $0x0  }
0x9b: {  	s7 =	sadd.s32 $0x300, s15;
	s6 =	rddreg [dreg:$0x4];
	[sflag:s5] =	ssyncadd.s32 @!p2 $0xFFFFF800  }
0x9c: {  	[tilespmem:s6], [sflag:$0x7] =	stream.indirect.gather [spmem:s2], $0x10, s7, s16, $0xb8;
	[tilespmem:$0x10680] =	vst v63  }
0x9d: {  	_ =	swait.ge [sflag:s28], $0x800  }
0x9e: {  	[sflag:s28] =	ssyncset.done $0x0  }
0x9f: {  	s8 =	sadd.s32 $0x2A00, s15;
	s5 =	simm.s32 @!p0 $0x10;
	[sflag:s28] =	ssyncadd.s32 $0xFFFFF800  }
0xa0: {  	[spmem:s3] =	stream.indirect.scatter.add.f32 [tilespmem:s23], [sflag:$0xD], $0x10, s8, s16, $0xb8;
	[tilespmem:$0x10680] =	vst v63  }
0xa1: {  	_ =	swait.ge @!p0 [sflag:s5], $0x800  }
0xa2: {  	[sflag:s5] =	ssyncset.done @!p0 $0x0  }
0xa3: {  	s13 =	sadd.s32 $0x380, s15;
	[sflag:s5] =	ssyncadd.s32 @!p0 $0xFFFFF800  }
0xa4: {  	[tilespmem:s29], [sflag:$0x8] =	stream.indirect.gather [spmem:s2], $0x10, s13, s16, $0xb8;
	[tilespmem:$0x10680] =	vst v63  }
0xa5: {  	_ =	swait.ge [sflag:s30], $0x800  }
0xa6: {  	[sflag:s30] =	ssyncset.done $0x0  }
0xa7: {  	s0 =	sadd.s32 $0x2B80, s15;
	s15 =	sadd.s32 $0x2A80, s15;
	[sflag:s30] =	ssyncadd.s32 $0xFFFFF800  }
0xa8: {  	[spmem:s3] =	stream.indirect.scatter.add.f32 [tilespmem:s25], [sflag:$0xE], $0x10, s15, s16, $0xb8;
	[tilespmem:$0x10680] =	vst v63  }
0xa9: {  	_ =	swait.ge [sflag:s31], $0x800  }
0xaa: {  	p0 =	seq.s32 s9, $0x9000;
	[sflag:s31] =	ssyncset.done $0x0  }
0xab: {  	s4 =	simm.s32 @p0 $0x7;
	[sflag:s31] =	ssyncadd.s32 $0xFFFFF800  }
0xac: {  	s5 =	sshra.s32 @p0 s9, $0x2;
	_ =	swait.ge @p0 [sflag:s4], $0x800  }
0xad: {  	s8 =	simm.s32 @p0 $0x80;
	s13 =	simm.s32 @p0 $0x8000;
	[sflag:s4] =	ssyncset.done @p0 $0x0  }
0xae: {  	s5 =	sadd.s32 @p0 $0x2B00, s5;
	[sflag:s4] =	ssyncadd.s32 @p0 $0xFFFFF800;
	s4 =	simm.s32 @p0 $0xA  }
0xaf: {  	[spmem:s3] =	stream.indirect.scatter.add.f32 @p0 [tilespmem:s13], [sflag:$0xF], $0x10, s5, s8, $0xb8;
	[tilespmem:$0x10680] =	vst v63  }
0xb0: {  	s9 =	sshra.s32 @!p0 s9, $0x2;
	_ =	swait.ge @p0 [sflag:s4], $0x800  }
0xb1: {  	s15 =	sadd.s32 @!p0 $0x400, s9;
	s5 =	simm.s32 @!p0 $0x80;
	[sflag:s4] =	ssyncset.done @p0 $0x0  }
0xb2: {  	s8 =	simm.s32 @!p0 $0x5000;
	[sflag:s4] =	ssyncadd.s32 @p0 $0xFFFFF800;
	s4 =	simm.s32 @!p0 $0x7  }
0xb3: {  	[tilespmem:s8], [sflag:$0x1] =	stream.indirect.gather @!p0 [spmem:s2], $0x10, s15, s5, $0xb8;
	[tilespmem:$0x10680] =	vst v63  }
0xb4: {  	s12 =	smov.u32 s14;
	s14 =	sadd.s32 $0x1000, s14;
	_ =	swait.ge @!p0 [sflag:s4], $0x800  }
0xb5: {  	p1 =	sne.s32 s14, $0xA000;
	s6 =	sadd.s32 @!p0 $0x2B00, s9;
	[sflag:s4] =	ssyncset.done @!p0 $0x0  }
0xb6: {  	s8 =	simm.s32 @!p0 $0x8000;
	[sflag:s4] =	ssyncadd.s32 @!p0 $0xFFFFF800;
	s4 =	simm.s32 @!p0 $0xA  }
0xb7: {  	[spmem:s3] =	stream.indirect.scatter.add.f32 @!p0 [tilespmem:s8], [sflag:$0xF], $0x10, s6, s5, $0xb8;
	[tilespmem:$0x10680] =	vst v63  }
.Ltmp1:
0xb8: {  	_ =	swait.ge @!p0 [sflag:s4], $0x800;
	(pc) =	sbr.rel @p1 .LBB2_4-.Ltmp1, $4  }
0xb9: {  	s7 =	sadd.s32 @!p0 $0x480, s9;
	[sflag:s4] =	ssyncset.done @!p0 $0x0  }
0xba: {  	s9 =	smov.u32 s12;
	s6 =	simm.s32 @!p0 $0x5800;
	[sflag:s4] =	ssyncadd.s32 @!p0 $0xFFFFF800  }
0xbb: {  	[tilespmem:s6], [sflag:$0x2] =	stream.indirect.gather @!p0 [spmem:s2], $0x10, s7, s5, $0xb8;
	[tilespmem:$0x10680] =	vst v63  }
0xbc: {  	s10 =	sadd.s32 $0x8, s10;
	p0 =	seq.s32 s9, $0x0;
	_ =	swait.ge [sflag:s1], $0x800  }
0xbd: {  	[sflag:s1] =	ssyncset.done $0x0  }
0xbe: {  	s4 =	simm.s32 @!p0 $0xB;
	[sflag:s1] =	ssyncadd.s32 $0xFFFFF800  }
0xbf: {  	[spmem:s3] =	stream.indirect.scatter.add.f32 [tilespmem:s29], [sflag:$0x10], $0x10, s0, s16, $0xb8;
	[tilespmem:$0x10680] =	vst v63  }
0xc0: {  	_ =	swait.ge @!p0 [sflag:s4], $0x800  }
0xc1: {  	s0 =	sshra.s32 s9, $0x2;
	[sflag:s4] =	ssyncset.done @!p0 $0x0  }
0xc2: {  	s5 =	sadd.s32 $0x100, s0;
	[sflag:s4] =	ssyncadd.s32 @!p0 $0xFFFFF800  }
0xc3: {  	[tilespmem:s19], [sflag:$0x3] =	stream.indirect.gather [spmem:s2], $0x10, s5, s16, $0xb8;
	[tilespmem:$0x10680] =	vst v63  }
0xc4: {  	_ =	swait.ge [sflag:s20], $0x800  }
0xc5: {  	[sflag:s20] =	ssyncset.done $0x0  }
0xc6: {  	s8 =	sadd.s32 $0x2800, s0;
	s5 =	simm.s32 @!p0 $0xC;
	[sflag:s20] =	ssyncadd.s32 $0xFFFFF800  }
0xc7: {  	[spmem:s3] =	stream.indirect.scatter.add.f32 [tilespmem:s17], [sflag:$0x9], $0x10, s8, s16, $0xb8;
	[tilespmem:$0x10680] =	vst v63  }
0xc8: {  	_ =	swait.ge @!p0 [sflag:s5], $0x800  }
0xc9: {  	[sflag:s5] =	ssyncset.done @!p0 $0x0  }
0xca: {  	s12 =	sadd.s32 $0x180, s0;
	[sflag:s5] =	ssyncadd.s32 @!p0 $0xFFFFF800  }
0xcb: {  	[tilespmem:s21], [sflag:$0x4] =	stream.indirect.gather [spmem:s2], $0x10, s12, s16, $0xb8;
	[tilespmem:$0x10680] =	vst v63  }
0xcc: {  	s13 =	sadd.s32 $0xFFFFFFFE, s10;
	_ =	swait.ge [sflag:s22], $0x800  }
0xcd: {  	p1 =	slt.u32 s13, $0x6;
	[sflag:s22] =	ssyncset.done $0x0  }
0xce: {  	s14 =	sadd.s32 $0x2880, s0;
	s5 =	simm.s32 @!p1 $0xD;
	[sflag:s22] =	ssyncadd.s32 $0xFFFFF800  }
0xcf: {  	[spmem:s3] =	stream.indirect.scatter.add.f32 [tilespmem:s18], [sflag:$0xA], $0x10, s14, s16, $0xb8;
	[tilespmem:$0x10680] =	vst v63  }
0xd0: {  	_ =	swait.ge @!p1 [sflag:s5], $0x800  }
0xd1: {  	[sflag:s5] =	ssyncset.done @!p1 $0x0  }
0xd2: {  	s15 =	sadd.s32 $0x200, s0;
	[sflag:s5] =	ssyncadd.s32 @!p1 $0xFFFFF800  }
0xd3: {  	[tilespmem:s23], [sflag:$0x5] =	stream.indirect.gather [spmem:s2], $0x10, s15, s16, $0xb8;
	[tilespmem:$0x10680] =	vst v63  }
0xd4: {  	s5 =	sadd.s32 $0xFFFFFFFF, s10;
	_ =	swait.ge [sflag:s24], $0x800  }
0xd5: {  	p1 =	slt.u32 s5, $0x6;
	[sflag:s24] =	ssyncset.done $0x0  }
0xd6: {  	s6 =	sadd.s32 $0x2900, s0;
	s5 =	simm.s32 @!p1 $0xE;
	[sflag:s24] =	ssyncadd.s32 $0xFFFFF800  }
0xd7: {  	[spmem:s3] =	stream.indirect.scatter.add.f32 [tilespmem:s19], [sflag:$0xB], $0x10, s6, s16, $0xb8;
	[tilespmem:$0x10680] =	vst v63  }
0xd8: {  	_ =	swait.ge @!p1 [sflag:s5], $0x800  }
0xd9: {  	[sflag:s5] =	ssyncset.done @!p1 $0x0  }
0xda: {  	s7 =	sadd.s32 $0x280, s0;
	[sflag:s5] =	ssyncadd.s32 @!p1 $0xFFFFF800  }
0xdb: {  	[tilespmem:s25], [sflag:$0x6] =	stream.indirect.gather [spmem:s2], $0x10, s7, s16, $0xb8;
	[tilespmem:$0x10680] =	vst v63  }
0xdc: {  	_ =	swait.ge [sflag:s26], $0x800  }
0xdd: {  	p1 =	slt.u32 s10, $0x6;
	[sflag:s26] =	ssyncset.done $0x0  }
0xde: {  	s8 =	sadd.s32 $0x2980, s0;
	s5 =	simm.s32 @!p1 $0xF;
	[sflag:s26] =	ssyncadd.s32 $0xFFFFF800  }
0xdf: {  	[spmem:s3] =	stream.indirect.scatter.add.f32 [tilespmem:s21], [sflag:$0xC], $0x10, s8, s16, $0xb8;
	[tilespmem:$0x10680] =	vst v63  }
0xe0: {  	_ =	swait.ge @!p1 [sflag:s5], $0x800  }
0xe1: {  	[sflag:s5] =	ssyncset.done @!p1 $0x0  }
0xe2: {  	s12 =	sadd.s32 $0x300, s0;
	s10 =	rddreg [dreg:$0x4];
	[sflag:s5] =	ssyncadd.s32 @!p1 $0xFFFFF800  }
0xe3: {  	[tilespmem:s10], [sflag:$0x7] =	stream.indirect.gather [spmem:s2], $0x10, s12, s16, $0xb8;
	[tilespmem:$0x10680] =	vst v63  }
0xe4: {  	_ =	swait.ge [sflag:s28], $0x800  }
0xe5: {  	[sflag:s28] =	ssyncset.done $0x0  }
0xe6: {  	s13 =	sadd.s32 $0x2A00, s0;
	s5 =	simm.s32 @!p0 $0x10;
	[sflag:s28] =	ssyncadd.s32 $0xFFFFF800  }
0xe7: {  	[spmem:s3] =	stream.indirect.scatter.add.f32 [tilespmem:s23], [sflag:$0xD], $0x10, s13, s16, $0xb8;
	[tilespmem:$0x10680] =	vst v63  }
0xe8: {  	_ =	swait.ge @!p0 [sflag:s5], $0x800  }
0xe9: {  	[sflag:s5] =	ssyncset.done @!p0 $0x0  }
0xea: {  	s14 =	sadd.s32 $0x380, s0;
	[sflag:s5] =	ssyncadd.s32 @!p0 $0xFFFFF800  }
0xeb: {  	[tilespmem:s29], [sflag:$0x8] =	stream.indirect.gather [spmem:s2], $0x10, s14, s16, $0xb8;
	[tilespmem:$0x10680] =	vst v63  }
0xec: {  	_ =	swait.ge [sflag:s30], $0x800  }
0xed: {  	[sflag:s30] =	ssyncset.done $0x0  }
0xee: {  	s15 =	sadd.s32 $0x2A80, s0;
	[sflag:s30] =	ssyncadd.s32 $0xFFFFF800  }
0xef: {  	[spmem:s3] =	stream.indirect.scatter.add.f32 [tilespmem:s25], [sflag:$0xE], $0x10, s15, s16, $0xb8;
	[tilespmem:$0x10680] =	vst v63  }
0xf0: {  	_ =	swait.ge [sflag:s31], $0x800  }
0xf1: {  	p0 =	seq.s32 s9, $0x9000;
	[sflag:s31] =	ssyncset.done $0x0  }
0xf2: {  	s4 =	simm.s32 @p0 $0x7;
	[sflag:s31] =	ssyncadd.s32 $0xFFFFF800  }
0xf3: {  	_ =	swait.ge @p0 [sflag:s4], $0x800  }
0xf4: {  	s5 =	sshra.s32 @p0 s9, $0x2;
	s6 =	simm.s32 @p0 $0x80;
	[sflag:s4] =	ssyncset.done @p0 $0x0  }
0xf5: {  	s5 =	sadd.s32 @p0 $0x2B00, s5;
	[sflag:s4] =	ssyncadd.s32 @p0 $0xFFFFF800;
	s4 =	simm.s32 @p0 $0x8000  }
0xf6: {  	[spmem:s3] =	stream.indirect.scatter.add.f32 @p0 [tilespmem:s4], [sflag:$0xF], $0x10, s5, s6, $0xb8;
	[tilespmem:$0x10680] =	vst v63  }
0xf7: {  	s4 =	simm.s32 @p0 $0xA  }
0xf8: {  	_ =	swait.ge @p0 [sflag:s4], $0x800  }
0xf9: {  	s7 =	simm.s32 @!p0 $0x80;
	s5 =	sshra.s32 @!p0 s9, $0x2;
	[sflag:s4] =	ssyncset.done @p0 $0x0  }
0xfa: {  	s6 =	sadd.s32 @!p0 $0x400, s5;
	[sflag:s4] =	ssyncadd.s32 @p0 $0xFFFFF800;
	s4 =	simm.s32 @!p0 $0x5000  }
0xfb: {  	[tilespmem:s4], [sflag:$0x1] =	stream.indirect.gather @!p0 [spmem:s2], $0x10, s6, s7, $0xb8;
	[tilespmem:$0x10680] =	vst v63  }
0xfc: {  	s4 =	simm.s32 @!p0 $0x7  }
0xfd: {  	_ =	swait.ge @!p0 [sflag:s4], $0x800  }
0xfe: {  	[sflag:s4] =	ssyncset.done @!p0 $0x0  }
0xff: {  	s6 =	sadd.s32 @!p0 $0x2B00, s5;
	[sflag:s4] =	ssyncadd.s32 @!p0 $0xFFFFF800;
	s4 =	simm.s32 @!p0 $0x8000  }
0x100: {  	[spmem:s3] =	stream.indirect.scatter.add.f32 @!p0 [tilespmem:s4], [sflag:$0xF], $0x10, s6, s7, $0xb8;
	[tilespmem:$0x10680] =	vst v63  }
0x101: {  	s4 =	simm.s32 @!p0 $0xA  }
0x102: {  	_ =	swait.ge @!p0 [sflag:s4], $0x800  }
0x103: {  	[sflag:s4] =	ssyncset.done @!p0 $0x0  }
0x104: {  	s5 =	sadd.s32 @!p0 $0x480, s5;
	[sflag:s4] =	ssyncadd.s32 @!p0 $0xFFFFF800;
	s4 =	simm.s32 @!p0 $0x5800  }
0x105: {  	[tilespmem:s4], [sflag:$0x2] =	stream.indirect.gather @!p0 [spmem:s2], $0x10, s5, s7, $0xb8;
	[tilespmem:$0x10680] =	vst v63  }
0x106: {  	_ =	swait.ge [sflag:s1], $0x800  }
0x107: {  	[sflag:s1] =	ssyncset.done $0x0  }
0x108: {  	s0 =	sadd.s32 $0x2B80, s0;
	s5 =	simm.s32 $0xB;
	[sflag:s1] =	ssyncadd.s32 $0xFFFFF800  }
0x109: {  	[spmem:s3] =	stream.indirect.scatter.add.f32 [tilespmem:s29], [sflag:$0x10], $0x10, s0, s16, $0xb8;
	[tilespmem:$0x10680] =	vst v63  }
0x10a: {  	_ =	swait.ge [sflag:s5], $0x800  }
0x10b: {  	[sflag:s5] =	ssyncset.done $0x0  }
0x10c: {  	s6 =	simm.s32 $0xC;
	[sflag:s5] =	ssyncadd.s32 $0xFFFFF800  }
0x10d: {  	_ =	swait.ge [sflag:s6], $0x800  }
0x10e: {  	[sflag:s6] =	ssyncset.done $0x0  }
0x10f: {  	s7 =	simm.s32 $0xD;
	[sflag:s6] =	ssyncadd.s32 $0xFFFFF800  }
0x110: {  	_ =	swait.ge [sflag:s7], $0x800  }
0x111: {  	[sflag:s7] =	ssyncset.done $0x0  }
0x112: {  	s8 =	simm.s32 $0xE;
	[sflag:s7] =	ssyncadd.s32 $0xFFFFF800  }
0x113: {  	_ =	swait.ge [sflag:s8], $0x800  }
0x114: {  	[sflag:s8] =	ssyncset.done $0x0  }
0x115: {  	s9 =	simm.s32 $0xF;
	[sflag:s8] =	ssyncadd.s32 $0xFFFFF800  }
0x116: {  	_ =	swait.ge [sflag:s9], $0x800  }
0x117: {  	[sflag:s9] =	ssyncset.done $0x0  }
0x118: {  	s10 =	simm.s32 $0x10;
	[sflag:s9] =	ssyncadd.s32 $0xFFFFF800  }
0x119: {  	_ =	swait.ge [sflag:s10], $0x800  }
0x11a: {  	[sflag:s10] =	ssyncset.done $0x0  }
0x11b: {  	[sflag:s10] =	ssyncadd.s32 $0xFFFFF800  }
0x11c: {  	[bflag:$0x0] =	sbarrier.arrive $0xFFFF  }
0x11d: {  	s5 =	rddreg [dreg:$0x8]  }
0x11e: {  	s13 =	rddreg [dreg:$0x9]  }
0x11f: {  	s7 =	rddreg [dreg:$0xb];
	s12 =	sshrl.u32 s5, $0x3  }
0x120: {  	[hbm:s13], [sflag:s7] =	dma.local [spmem:s12], $0x4F0  }
0x121: {  	_ =	swait.ge [sflag:s11], $0x4F0  }
0x122: {  	s14 =	rddreg [dreg:$0xd]  }
0x123: {  	s15 =	rddreg [dreg:$0xa];
	s4 =	sadd.s32 $0x1, s14  }
0x124: {  	p0 =	sne.s32 s4, s15  }
.Ltmp2:
0x125: {  	_ = 	snop;
	(pc) =	sbr.rel @p0 .LBB2_1-.Ltmp2, $3  }
0x126: {  	_ =	sdelay $0x1  }
0x127: {  	[sflag:s11] =	ssyncset.done $0x0  }
0x128: {  	[sflag:s11] =	ssyncadd.s32 $0xFFFFFB10  }
0x129: {  	_ =	sfence.sel $0x180000  }
0x12a: {  	[bflag:$0x0] =	sbarrier.arrive $0xFFFF  }
0x12b: {  	_ =	strace $0x90000047  }
0x12c: {  	s0 =	stileid.u32;
	[bflag:$0x2] =	sbarrier.arrive $0xFFFF  }
0x12d: {  	p0 =	sne.s32 s0, $0x0;
	s0 =	rddreg [dreg:$0x3]  }
0x12e: {  	s0 =	sadd.s32 @!p0 $0x100000, s0  }
0x12f: {  	[sflag:s0] =	ssyncadd.tile.s32 @!p0 $0x1;
	_ =	shalt  }
.Lfunc_end2:
_tile_overlayer_lowered:
.L_overlay_start_2:
0x130: {  	(tag) =	ssettag $0x2  }
0x131: {  	s0 =	rddreg [dreg:$0x0];
	s2 =	stileid.u32  }
0x132: {  	s1 =	rddreg [dreg:$0x1];
	p0 =	sne.s32 s2, $0x0  }
0x133: {  	s3 =	rddreg [dreg:$0x2];
	[bflag:$0x3] =	sbarrier.arrive $0xFFFF;
	s2 =	simm.s32 @!p0 $0x1C11  }
0x134: {  	[timem:s3], [sflag:s2] =	dma.local @!p0 [hbm:s0], s1  }
0x135: {  	s0 =	simm.s32 @!p0 $0x11  }
0x136: {  	_ =	swait.ge @!p0 [sflag:s0], s1  }
0x137: {  	s1 =	ssub.s32 @!p0 $0x0, s1;
	[sflag:s0] =	ssyncset.done @!p0 $0x0  }
0x138: {  	[sflag:s0] =	ssyncadd.s32 @!p0 s1  }
0x139: {  	[bflag:$0x3] =	sbarrier.arrive $0xFFFF  }
0x13a: {  	_ =	shalt  }

</sc_bundles>
